<compile_context>
chip_gen: v7x
topology: tpu7x:2x2x1
jax: 0.10.2.dev20260603
libtpu: 0.0.44.dev20260713+nightly
codegen_flags: <defaults>
</compile_context>

<pallas_src>
import functools

import jax
import jax.numpy as jnp
from jax.experimental import pallas as pl
from jax.experimental.pallas import tpu as pltpu
from jax.experimental.pallas import tpu_sc as plsc

B, N1, N2 = 8, 1024, 4096
DIM1, DIM2, DOUT = 256, 128, 128
N2B = 512
NJ = N2 // N2B
NH = 2
BH = B // NH
NIDX_H = 3 * BH * N2
GWIN = 128


def _top3_body(has_dummy, xyz1t_ref, points1_ref, xyz2t_ref,
               w1_ref, s1_ref, t1_ref, feats1_ref, idxrows_ref, wcols_ref,
               *rest):
    if has_dummy:
        dummy_ref, n1sq_ref = rest
    else:
        (n1sq_ref,) = rest
    b = pl.program_id(0)
    j = pl.program_id(1)

    x1t3 = xyz1t_ref[0]

    @pl.when(j == 0)
    def _():
        f1 = jnp.dot(points1_ref[0], w1_ref[...],
                     preferred_element_type=jnp.float32)
        feats1_ref[0] = jnp.maximum(f1 * s1_ref[0] + t1_ref[0], 0.0)
        n1sq_ref[0:1, :] = (x1t3[0:1, :] * x1t3[0:1, :]
                            + x1t3[1:2, :] * x1t3[1:2, :]
                            + x1t3[2:3, :] * x1t3[2:3, :])

    if has_dummy:
        @pl.when(jnp.logical_and(b == 0, j == 0))
        def _():
            dummy_ref[0] = jnp.zeros((N2B, DOUT), jnp.float32)

    n1sq = n1sq_ref[0:1, :]
    x2t = xyz2t_ref[0]
    n2row = (x2t[0:1, :] * x2t[0:1, :]
             + x2t[1:2, :] * x2t[1:2, :]
             + x2t[2:3, :] * x2t[2:3, :])
    n2sq = jnp.transpose(n2row, (1, 0))
    p2 = jax.lax.dot_general(
        -2.0 * x2t, x1t3, (((0,), (0,)), ((), ())),
        preferred_element_type=jnp.float32)
    d = p2 + n2sq + n1sq

    iota = jax.lax.broadcasted_iota(jnp.int32, (N2B, N1), 1).astype(jnp.float32)
    big_d = jnp.float32(1e30)
    big_i = jnp.float32(2.0 ** 30)
    mins, idxs = [], []
    for _k in range(3):
        mn = jnp.min(d, axis=1, keepdims=True)
        ik = jnp.min(jnp.where(d == mn, iota, big_i), axis=1, keepdims=True)
        mins.append(mn)
        idxs.append(ik)
        d = jnp.where(iota == ik, big_d, d)

    r = [1.0 / (m + 1e-8) for m in mins]
    norm = r[0] + r[1] + r[2]

    boff = (b * N1).astype(jnp.float32)
    rows = [jnp.transpose(ik + boff, (1, 0)) for ik in idxs]
    rows.append(jnp.zeros((8 - 3, N2B), jnp.float32))
    idxrows_ref[0] = jnp.concatenate(rows, axis=0)

    cols = [rk / norm for rk in r]
    cols.append(jnp.zeros((N2B, 8 - 3), jnp.float32))
    wcols_ref[0] = jnp.concatenate(cols, axis=1)


def _top3(h, xyz1t, points1, xyz2t, w1, s1, t1):
    off = h * BH
    has_dummy = h == 0
    out_specs = [
        pl.BlockSpec((1, N1, DOUT), lambda b, j: (b, 0, 0)),
        pl.BlockSpec((1, 8, N2B), lambda b, j: (b, 0, j)),
        pl.BlockSpec((1, N2B, 8), lambda b, j: (b, j, 0)),
    ]
    out_shape = [
        jax.ShapeDtypeStruct((BH, N1, DOUT), jnp.float32),
        jax.ShapeDtypeStruct((BH, 8, N2), jnp.float32),
        jax.ShapeDtypeStruct((BH, N2, 8), jnp.float32),
    ]
    if has_dummy:
        out_specs.append(pl.BlockSpec((1, N2B, DOUT), lambda b, j: (0, 0, 0)))
        out_shape.append(jax.ShapeDtypeStruct((B, N2, DOUT), jnp.float32))
    return pl.pallas_call(
        functools.partial(_top3_body, has_dummy),
        grid=(BH, NJ),
        in_specs=[
            pl.BlockSpec((1, 3, N1), lambda b, j: (b + off, 0, 0)),
            pl.BlockSpec((1, N1, DIM1), lambda b, j: (b + off, 0, 0)),
            pl.BlockSpec((1, 3, N2B), lambda b, j: (b + off, 0, j)),
            pl.BlockSpec((DIM1, DOUT), lambda b, j: (0, 0)),
            pl.BlockSpec((1, DOUT), lambda b, j: (0, 0)),
            pl.BlockSpec((1, DOUT), lambda b, j: (0, 0)),
        ],
        out_specs=out_specs,
        out_shape=out_shape,
        scratch_shapes=[pltpu.VMEM((8, N1), jnp.float32)],
    )(xyz1t, points1, xyz2t, w1, s1, t1)


def _sc_gather(feats1_flat, idx_all):
    vector_mesh = plsc.VectorSubcoreMesh(
        core_axis_name="core", subcore_axis_name="subcore")

    @pl.kernel(out_type=jax.ShapeDtypeStruct((NIDX_H, DOUT), jnp.float32),
               mesh=vector_mesh)
    def _gather_kernel(x_hbm, i_hbm, o_hbm):
        def body(i_vmem, o_vmem):
            pltpu.sync_copy(x_hbm.at[i_vmem.at[0]], o_vmem)

        pltpu.emit_pipeline(
            body,
            grid=(NIDX_H // GWIN,),
            in_specs=[pl.BlockSpec((1, GWIN), index_map=lambda i: (0, i))],
            out_specs=[pl.BlockSpec((GWIN, DOUT), index_map=lambda i: (i, 0))],
            core_axis_name=("core", "subcore"),
            dimension_semantics=(pltpu.PARALLEL,),
        )(i_hbm, o_hbm)

    return _gather_kernel(feats1_flat, idx_all)


def _combine_body(points2_ref, w2_ref, s2_ref, t2_ref, wcols_ref,
                  g0_ref, g1_ref, g2_ref, outbuf_ref, out_ref):
    del outbuf_ref
    f2 = jnp.dot(points2_ref[0], w2_ref[...],
                 preferred_element_type=jnp.float32)
    f2 = jnp.maximum(f2 * s2_ref[0] + t2_ref[0], 0.0)
    wc = wcols_ref[0]
    out_ref[0] = (f2
                  + wc[:, 0:1] * g0_ref[0, 0]
                  + wc[:, 1:2] * g1_ref[0, 0]
                  + wc[:, 2:3] * g2_ref[0, 0])


def _combine(h, points2, w2, s2, t2, wcols, g, outbuf):
    off = h * BH
    gspec = lambda k: pl.BlockSpec(
        (1, 1, N2B, DOUT), lambda b, j, _k=k: (_k, b, j, 0))
    return pl.pallas_call(
        _combine_body,
        grid=(BH, NJ),
        in_specs=[
            pl.BlockSpec((1, N2B, DIM2), lambda b, j: (b + off, j, 0)),
            pl.BlockSpec((DIM2, DOUT), lambda b, j: (0, 0)),
            pl.BlockSpec((1, DOUT), lambda b, j: (0, 0)),
            pl.BlockSpec((1, DOUT), lambda b, j: (0, 0)),
            pl.BlockSpec((1, N2B, 8), lambda b, j: (b, j, 0)),
            gspec(0), gspec(1), gspec(2),
            pl.BlockSpec(memory_space=pltpu.MemorySpace.HBM),
        ],
        out_specs=pl.BlockSpec((1, N2B, DOUT), lambda b, j: (b + off, j, 0)),
        out_shape=jax.ShapeDtypeStruct((B, N2, DOUT), jnp.float32),
        input_output_aliases={8: 0},
    )(points2, w2, s2, t2, wcols, g, g, g, outbuf)


def kernel(xyz1, points1, xyz2, points2, W1, b1, gamma1, beta1, rm1, rv1,
           W2, b2, gamma2, beta2, rm2, rv2):
    s1 = (gamma1 / jnp.sqrt(rv1 + 1e-5))[None, :]
    t1 = ((b1 - rm1) * s1[0] + beta1)[None, :]
    s2 = (gamma2 / jnp.sqrt(rv2 + 1e-5))[None, :]
    t2 = ((b2 - rm2) * s2[0] + beta2)[None, :]

    w1 = W1.T
    w2 = W2.T
    xyz1t = jnp.transpose(xyz1, (0, 2, 1))
    xyz2t = jnp.transpose(xyz2, (0, 2, 1))

    out = None
    for h in range(NH):
        res = _top3(h, xyz1t, points1, xyz2t, w1, s1, t1)
        if h == 0:
            feats1, idxrows, wcols, out = res
        else:
            feats1, idxrows, wcols = res
        idx_all = (jnp.transpose(idxrows[:, 0:3, :], (1, 0, 2))
                   .reshape(1, NIDX_H).astype(jnp.int32))
        gathered = _sc_gather(feats1.reshape(BH * N1, DOUT), idx_all)
        g = gathered.reshape(3, BH, N2, DOUT)
        out = _combine(h, points2, w2, s2, t2, wcols, g, out)

    return out

# --- scband reference (transcript-rebuilt; emitter-appended) ---
"""Pipeline reference for scband-transition-up-687194767472 (READ-ONLY COPY).

The authoritative reference and input builder live on the scoring server;
editing this copy changes nothing except your own understanding.
"""

import jax, jax.numpy as jnp
import numpy as np


def setup_inputs(seed: int = 0) -> dict:
    key = jax.random.key(seed)
    ks = jax.random.split(key, 8)
    B, N1, N2 = 8, 1024, 4096
    dim1, dim2, dim_out = 256, 128, 128
    return {
        "xyz1": jax.random.normal(ks[0], (B, N1, 3), dtype=jnp.float32),
        "points1": jax.random.normal(ks[1], (B, N1, dim1), dtype=jnp.float32),
        "xyz2": jax.random.normal(ks[2], (B, N2, 3), dtype=jnp.float32),
        "points2": jax.random.normal(ks[3], (B, N2, dim2), dtype=jnp.float32),
        "W1": jax.random.normal(ks[4], (dim_out, dim1), dtype=jnp.float32) / np.sqrt(dim1),
        "b1": jnp.zeros((dim_out,), jnp.float32),
        "gamma1": jnp.ones((dim_out,), jnp.float32),
        "beta1": jnp.zeros((dim_out,), jnp.float32),
        "rm1": jnp.zeros((dim_out,), jnp.float32),
        "rv1": jnp.ones((dim_out,), jnp.float32),
        "W2": jax.random.normal(ks[5], (dim_out, dim2), dtype=jnp.float32) / np.sqrt(dim2),
        "b2": jnp.zeros((dim_out,), jnp.float32),
        "gamma2": jnp.ones((dim_out,), jnp.float32),
        "beta2": jnp.zeros((dim_out,), jnp.float32),
        "rm2": jnp.zeros((dim_out,), jnp.float32),
        "rv2": jnp.ones((dim_out,), jnp.float32),
    }


def _bn(x, gamma, beta, mean, var, eps=1e-5):
    # eval-mode BatchNorm1d over channel (last) dim
    return (x - mean) / jnp.sqrt(var + eps) * gamma + beta


def reference(xyz1, points1, xyz2, points2, W1, b1, gamma1, beta1, rm1, rv1,
              W2, b2, gamma2, beta2, rm2, rv2):
    # fc1 / fc2: Linear -> BN (channel dim) -> ReLU
    feats1 = jax.nn.relu(_bn(points1 @ W1.T + b1, gamma1, beta1, rm1, rv1))  # [B,N1,dout]
    feats2 = jax.nn.relu(_bn(points2 @ W2.T + b2, gamma2, beta2, rm2, rv2))  # [B,N2,dout]

    # PointNetFeaturePropagation: interpolate feats1 (at xyz1) onto xyz2 via 3-NN
    # square_distance(xyz2, xyz1) -> [B, N2, N1]
    d = -2.0 * jnp.einsum('bnc,bmc->bnm', xyz2, xyz1)
    d = d + jnp.sum(xyz2 ** 2, axis=-1, keepdims=True)
    d = d + jnp.sum(xyz1 ** 2, axis=-1)[:, None, :]

    idx = jnp.argsort(d, axis=-1)[:, :, :3]                    # [B,N2,3]
    dists = jnp.take_along_axis(d, idx, axis=-1)               # [B,N2,3]
    dist_recip = 1.0 / (dists + 1e-8)
    norm = jnp.sum(dist_recip, axis=2, keepdims=True)
    weight = dist_recip / norm                                  # [B,N2,3]

    gathered = jax.vmap(lambda p, i: p[i])(feats1, idx)         # [B,N2,3,dout]
    interpolated = jnp.sum(gathered * weight[..., None], axis=2)  # [B,N2,dout]

    return interpolated + feats2

if __name__ == "__main__":
    import jax
    _d = setup_inputs()
    print(jax.jit(kernel)(*tuple(_d.values())))

</pallas_src>

<mosaic_0001>
#map = affine_map<(d0, d1) -> (0, 0)>
module attributes {stable_mosaic.version = 14 : i64} {
  func.func @_gather_kernel(%arg0: i32, %arg1: i32, %arg2: memref<4096x128xf32, #tpu.memory_space<hbm>>, %arg3: memref<1x49152xi32, #tpu.memory_space<hbm>>, %arg4: memref<49152x128xf32, #tpu.memory_space<hbm>>) attributes {dimension_semantics = [#tpu.dimension_semantics<core_parallel>, #tpu.dimension_semantics<subcore_parallel>], iteration_bounds = array<i64: 2, 16>, scalar_prefetch = 0 : i64, scratch_operands = 0 : i64, tpu.core_type = #tpu.core_type<sc_vector_subcore>, window_params = [{transform_indices = #map}, {transform_indices = #map}, {transform_indices = #map}]} {
    %mul3A = arith.constant 1 : i32
    %mul3A_0 = arith.muli %arg1, %mul3A : i32
    %add3A = arith.constant 0 : i32
    %add3A_1 = arith.addi %add3A, %mul3A_0 : i32
    %mul3A_2 = arith.constant 16 : i32
    %mul3A_3 = arith.muli %arg0, %mul3A_2 : i32
    %add3A_4 = arith.addi %add3A_1, %mul3A_3 : i32
    %mul3A_5 = arith.constant 12 : i32
    %mul3A_6 = arith.muli %add3A_4, %mul3A_5 : i32
    "tpu.region"() ({
      %run_scoped3A = memref.alloca() : memref<2x1x128xi32, #tpu.memory_space<vmem>>
      %run_scoped3A_7 = tpu.sem_alloc : memref<2x!tpu.dma_semaphore, #tpu.memory_space<semaphore_mem>>
      %run_scoped3A_8 = memref.alloca() : memref<2x128x128xf32, #tpu.memory_space<vmem>>
      %run_scoped3A_9 = tpu.sem_alloc : memref<2x!tpu.dma_semaphore, #tpu.memory_space<semaphore_mem>>
      %add3A_10 = arith.constant 0 : i32
      %add3A_11 = arith.addi %add3A_10, %mul3A_6 : i32
      %select_n3A = arith.constant true
      %select_n3A_12 = arith.constant 0 : i32
      %select_n3A_13 = arith.constant -1 : i32
      %select_n3A_14 = arith.select %select_n3A, %select_n3A_13, %select_n3A_12 : i32
      %eq3A = arith.constant -1 : i32
      %eq3A_15 = arith.cmpi eq, %select_n3A_14, %eq3A : i32
      %select_n3A_16 = arith.constant 11 : i32
      %select_n3A_17 = arith.select %eq3A_15, %select_n3A_16, %select_n3A_14 : i32
      %add3A_18 = arith.addi %select_n3A_17, %mul3A_6 : i32
      %select_n3A_19 = arith.constant true
      %select_n3A_20 = arith.constant 0 : i32
      %select_n3A_21 = arith.constant 1 : i32
      %select_n3A_22 = arith.select %select_n3A_19, %select_n3A_21, %select_n3A_20 : i32
      %eq3A_23 = arith.constant 12 : i32
      %eq3A_24 = arith.cmpi eq, %select_n3A_22, %eq3A_23 : i32
      %select_n3A_25 = arith.constant 0 : i32
      %select_n3A_26 = arith.select %eq3A_24, %select_n3A_25, %select_n3A_22 : i32
      %add3A_27 = arith.addi %select_n3A_26, %mul3A_6 : i32
      %add3A_28 = arith.constant 1 : i32
      %add3A_29 = arith.addi %select_n3A_26, %add3A_28 : i32
      %select_n3A_30 = arith.constant true
      %select_n3A_31 = arith.select %select_n3A_30, %add3A_29, %select_n3A_26 : i32
      %eq3A_32 = arith.constant 12 : i32
      %eq3A_33 = arith.cmpi eq, %select_n3A_31, %eq3A_32 : i32
      %select_n3A_34 = arith.constant 0 : i32
      %select_n3A_35 = arith.select %eq3A_33, %select_n3A_34, %select_n3A_31 : i32
      %add3A_36 = arith.addi %select_n3A_35, %mul3A_6 : i32
      "tpu.trace_start"() <{level = 10 : i32, message = "ep_initialize_0"}> : () -> ()
      %rem3A = arith.constant 0 : i32
      %rem3A_37 = arith.constant 2 : i32
      %rem3A_38 = arith.remui %rem3A, %rem3A_37 : i32
      %mul3A_39 = arith.constant 128 : i32
      %mul3A_40 = arith.muli %mul3A_39, %add3A_11 : i32
      %dma_start3A = arith.constant 0 : i32
      %dma_start3A_41 = arith.constant 0 : i32
      %dma_start3A_42 = tpu.memref_slice %run_scoped3A[%rem3A_38, %dma_start3A, %dma_start3A_41] : memref<2x1x128xi32, #tpu.memory_space<vmem>> -> memref<1x1x128xi32, #tpu.memory_space<vmem>>
      %dma_start3A_43 = tpu.memref_squeeze %dma_start3A_42 : memref<1x1x128xi32, #tpu.memory_space<vmem>> -> memref<1x128xi32, #tpu.memory_space<vmem>>
      %dma_start3A_44 = arith.constant 0 : i32
      %dma_start3A_45 = tpu.memref_slice %arg3[%dma_start3A_44, %mul3A_40] : memref<1x49152xi32, #tpu.memory_space<hbm>> -> memref<1x128xi32, #tpu.memory_space<hbm>>
      %dma_start3A_46 = tpu.memref_slice %run_scoped3A_7[%rem3A_38] : memref<2x!tpu.dma_semaphore, #tpu.memory_space<semaphore_mem>> -> memref<1x!tpu.dma_semaphore, #tpu.memory_space<semaphore_mem>>
      %dma_start3A_47 = tpu.memref_squeeze %dma_start3A_46 : memref<1x!tpu.dma_semaphore, #tpu.memory_space<semaphore_mem>> -> memref<!tpu.dma_semaphore, #tpu.memory_space<semaphore_mem>>
      %dma_start3A_48 = arith.constant 0 : i32
      %dma_start3A_49 = arith.constant 0 : i32
      %dma_start3A_50 = tpu.memref_slice %run_scoped3A[%rem3A_38, %dma_start3A_48, %dma_start3A_49] : memref<2x1x128xi32, #tpu.memory_space<vmem>> -> memref<1x1x128xi32, #tpu.memory_space<vmem>>
      %dma_start3A_51 = tpu.memref_squeeze %dma_start3A_50 : memref<1x1x128xi32, #tpu.memory_space<vmem>> -> memref<1x128xi32, #tpu.memory_space<vmem>>
      %dma_start3A_52 = arith.constant 0 : i32
      %dma_start3A_53 = tpu.memref_slice %arg3[%dma_start3A_52, %mul3A_40] : memref<1x49152xi32, #tpu.memory_space<hbm>> -> memref<1x128xi32, #tpu.memory_space<hbm>>
      tpu.enqueue_dma source(%dma_start3A_53 : memref<1x128xi32, #tpu.memory_space<hbm>>) target(%dma_start3A_51 : memref<1x128xi32, #tpu.memory_space<vmem>>) target_semaphore(%dma_start3A_47 : memref<!tpu.dma_semaphore, #tpu.memory_space<semaphore_mem>>)
      %add3A_54 = arith.constant 0 : i32
      %add3A_55 = arith.constant 1 : i32
      %add3A_56 = arith.addi %add3A_54, %add3A_55 : i32
      %select_n3A_57 = arith.constant true
      %select_n3A_58 = arith.constant 0 : i32
      %select_n3A_59 = arith.select %select_n3A_57, %add3A_56, %select_n3A_58 : i32
      "tpu.trace_stop"() : () -> ()
      %scan3A = arith.constant 0 : i32
      %scan3A_60 = arith.constant 0 : i32
      %scan3A_61 = arith.constant 0 : i32
      %scan3A_62 = arith.constant 0 : i32
      %scan3A_63 = arith.constant 0 : i32
      %scan3A_64 = arith.constant 12 : i32
      %scan3A_65 = arith.addi %scan3A_63, %scan3A_64 : i32
      %scan3A_66 = arith.constant 1 : i32
      %scan3A_67:5 = scf.for %scan3A_121 = %scan3A_63 to %scan3A_65 step %scan3A_66 iter_args(%scan3A_122 = %select_n3A_59, %scan3A_123 = %scan3A, %scan3A_124 = %scan3A_60, %scan3A_125 = %scan3A_61, %scan3A_126 = %scan3A_62) -> (i32, i32, i32, i32, i32)  : i32 {
        %eq3A_127 = arith.constant 0 : i32
        %eq3A_128 = arith.cmpi eq, %scan3A_121, %eq3A_127 : i32
        %eq3A_129 = arith.constant 11 : i32
        %eq3A_130 = arith.cmpi eq, %scan3A_121, %eq3A_129 : i32
        %add3A_131 = arith.addi %scan3A_126, %mul3A_6 : i32
        %sub3A_132 = arith.constant 1 : i32
        %sub3A_133 = arith.subi %scan3A_126, %sub3A_132 : i32
        %select_n3A_134 = arith.constant true
        %select_n3A_135 = arith.select %select_n3A_134, %sub3A_133, %scan3A_126 : i32
        %eq3A_136 = arith.constant -1 : i32
        %eq3A_137 = arith.cmpi eq, %select_n3A_135, %eq3A_136 : i32
        %select_n3A_138 = arith.constant 11 : i32
        %select_n3A_139 = arith.select %eq3A_137, %select_n3A_138, %select_n3A_135 : i32
        %add3A_140 = arith.addi %select_n3A_139, %mul3A_6 : i32
        %add3A_141 = arith.constant 1 : i32
        %add3A_142 = arith.addi %scan3A_126, %add3A_141 : i32
        %select_n3A_143 = arith.constant true
        %select_n3A_144 = arith.select %select_n3A_143, %add3A_142, %scan3A_126 : i32
        %eq3A_145 = arith.constant 12 : i32
        %eq3A_146 = arith.cmpi eq, %select_n3A_144, %eq3A_145 : i32
        %select_n3A_147 = arith.constant 0 : i32
        %select_n3A_148 = arith.select %eq3A_146, %select_n3A_147, %select_n3A_144 : i32
        %add3A_149 = arith.addi %select_n3A_148, %mul3A_6 : i32
        %add3A_150 = arith.constant 1 : i32
        %add3A_151 = arith.addi %select_n3A_148, %add3A_150 : i32
        %select_n3A_152 = arith.constant true
        %select_n3A_153 = arith.select %select_n3A_152, %add3A_151, %select_n3A_148 : i32
        %eq3A_154 = arith.constant 12 : i32
        %eq3A_155 = arith.cmpi eq, %select_n3A_153, %eq3A_154 : i32
        %select_n3A_156 = arith.constant 0 : i32
        %select_n3A_157 = arith.select %eq3A_155, %select_n3A_156, %select_n3A_153 : i32
        %add3A_158 = arith.addi %select_n3A_157, %mul3A_6 : i32
        %ne3A = arith.cmpi ne, %add3A_131, %add3A_149 : i32
        %or3A = arith.constant false
        %or3A_159 = arith.ori %or3A, %ne3A : i1
        %ge3A = arith.constant 11 : i32
        %ge3A_160 = arith.cmpi sge, %scan3A_121, %ge3A : i32
        %not3A = arith.constant true
        %not3A_161 = arith.xori %ge3A_160, %not3A : i1
        %and3A = arith.andi %or3A_159, %not3A_161 : i1
        %convert_element_type3A = arith.extui %and3A : i1 to i32
        %cond3A = arith.constant 0 : i32
        %cond3A_162 = arith.cmpi ne, %convert_element_type3A, %cond3A : i32
        scf.if %cond3A_162 {
          "tpu.trace_start"() <{level = 10 : i32, message = "ep_copy_in"}> : () -> ()
          %rem3A_264 = arith.constant 2 : i32
          %rem3A_265 = arith.remui %scan3A_122, %rem3A_264 : i32
          %mul3A_266 = arith.constant 128 : i32
          %mul3A_267 = arith.muli %mul3A_266, %add3A_149 : i32
          %dma_start3A_268 = arith.constant 0 : i32
          %dma_start3A_269 = arith.constant 0 : i32
          %dma_start3A_270 = tpu.memref_slice %run_scoped3A[%rem3A_265, %dma_start3A_268, %dma_start3A_269] : memref<2x1x128xi32, #tpu.memory_space<vmem>> -> memref<1x1x128xi32, #tpu.memory_space<vmem>>
          %dma_start3A_271 = tpu.memref_squeeze %dma_start3A_270 : memref<1x1x128xi32, #tpu.memory_space<vmem>> -> memref<1x128xi32, #tpu.memory_space<vmem>>
          %dma_start3A_272 = arith.constant 0 : i32
          %dma_start3A_273 = tpu.memref_slice %arg3[%dma_start3A_272, %mul3A_267] : memref<1x49152xi32, #tpu.memory_space<hbm>> -> memref<1x128xi32, #tpu.memory_space<hbm>>
          %dma_start3A_274 = tpu.memref_slice %run_scoped3A_7[%rem3A_265] : memref<2x!tpu.dma_semaphore, #tpu.memory_space<semaphore_mem>> -> memref<1x!tpu.dma_semaphore, #tpu.memory_space<semaphore_mem>>
          %dma_start3A_275 = tpu.memref_squeeze %dma_start3A_274 : memref<1x!tpu.dma_semaphore, #tpu.memory_space<semaphore_mem>> -> memref<!tpu.dma_semaphore, #tpu.memory_space<semaphore_mem>>
          %dma_start3A_276 = arith.constant 0 : i32
          %dma_start3A_277 = arith.constant 0 : i32
          %dma_start3A_278 = tpu.memref_slice %run_scoped3A[%rem3A_265, %dma_start3A_276, %dma_start3A_277] : memref<2x1x128xi32, #tpu.memory_space<vmem>> -> memref<1x1x128xi32, #tpu.memory_space<vmem>>
          %dma_start3A_279 = tpu.memref_squeeze %dma_start3A_278 : memref<1x1x128xi32, #tpu.memory_space<vmem>> -> memref<1x128xi32, #tpu.memory_space<vmem>>
          %dma_start3A_280 = arith.constant 0 : i32
          %dma_start3A_281 = tpu.memref_slice %arg3[%dma_start3A_280, %mul3A_267] : memref<1x49152xi32, #tpu.memory_space<hbm>> -> memref<1x128xi32, #tpu.memory_space<hbm>>
          tpu.enqueue_dma source(%dma_start3A_281 : memref<1x128xi32, #tpu.memory_space<hbm>>) target(%dma_start3A_279 : memref<1x128xi32, #tpu.memory_space<vmem>>) target_semaphore(%dma_start3A_275 : memref<!tpu.dma_semaphore, #tpu.memory_space<semaphore_mem>>)
          "tpu.trace_stop"() : () -> ()
        } else {
        }
        %and3A_163 = arith.constant true
        %and3A_164 = arith.andi %and3A, %and3A_163 : i1
        %add3A_165 = arith.constant 1 : i32
        %add3A_166 = arith.addi %scan3A_122, %add3A_165 : i32
        %select_n3A_167 = arith.select %and3A_164, %add3A_166, %scan3A_122 : i32
        %ne3A_168 = arith.cmpi ne, %add3A_131, %add3A_149 : i32
        %or3A_169 = arith.constant false
        %or3A_170 = arith.ori %or3A_169, %ne3A_168 : i1
        %or3A_171 = arith.constant false
        %or3A_172 = arith.ori %or3A_170, %or3A_171 : i1
        %ge3A_173 = arith.constant 11 : i32
        %ge3A_174 = arith.cmpi sge, %scan3A_121, %ge3A_173 : i32
        %not3A_175 = arith.constant true
        %not3A_176 = arith.xori %ge3A_174, %not3A_175 : i1
        %and3A_177 = arith.andi %or3A_172, %not3A_176 : i1
        %ne3A_178 = arith.cmpi ne, %add3A_131, %add3A_140 : i32
        %or3A_179 = arith.constant false
        %or3A_180 = arith.ori %or3A_179, %ne3A_178 : i1
        %or3A_181 = arith.ori %or3A_180, %eq3A_128 : i1
        %convert_element_type3A_182 = arith.extui %or3A_181 : i1 to i32
        %cond3A_183 = arith.constant 0 : i32
        %cond3A_184 = arith.cmpi ne, %convert_element_type3A_182, %cond3A_183 : i32
        scf.if %cond3A_184 {
          "tpu.trace_start"() <{level = 10 : i32, message = "ep_wait_in"}> : () -> ()
          %mul3A_264 = arith.constant 128 : i32
          %mul3A_265 = arith.muli %mul3A_264, %add3A_131 : i32
          %rem3A_266 = arith.constant 2 : i32
          %rem3A_267 = arith.remui %scan3A_123, %rem3A_266 : i32
          %dma_wait3A_268 = arith.constant 0 : i32
          %dma_wait3A_269 = arith.constant 0 : i32
          %dma_wait3A_270 = tpu.memref_slice %run_scoped3A[%rem3A_267, %dma_wait3A_268, %dma_wait3A_269] : memref<2x1x128xi32, #tpu.memory_space<vmem>> -> memref<1x1x128xi32, #tpu.memory_space<vmem>>
          %dma_wait3A_271 = tpu.memref_squeeze %dma_wait3A_270 : memref<1x1x128xi32, #tpu.memory_space<vmem>> -> memref<1x128xi32, #tpu.memory_space<vmem>>
          %dma_wait3A_272 = arith.constant 0 : i32
          %dma_wait3A_273 = tpu.memref_slice %arg3[%dma_wait3A_272, %mul3A_265] : memref<1x49152xi32, #tpu.memory_space<hbm>> -> memref<1x128xi32, #tpu.memory_space<hbm>>
          %dma_wait3A_274 = tpu.memref_slice %run_scoped3A_7[%rem3A_267] : memref<2x!tpu.dma_semaphore, #tpu.memory_space<semaphore_mem>> -> memref<1x!tpu.dma_semaphore, #tpu.memory_space<semaphore_mem>>
          %dma_wait3A_275 = tpu.memref_squeeze %dma_wait3A_274 : memref<1x!tpu.dma_semaphore, #tpu.memory_space<semaphore_mem>> -> memref<!tpu.dma_semaphore, #tpu.memory_space<semaphore_mem>>
          %dma_wait3A_276 = arith.constant 0 : i32
          %dma_wait3A_277 = arith.constant 0 : i32
          %dma_wait3A_278 = tpu.memref_slice %run_scoped3A[%rem3A_267, %dma_wait3A_276, %dma_wait3A_277] : memref<2x1x128xi32, #tpu.memory_space<vmem>> -> memref<1x1x128xi32, #tpu.memory_space<vmem>>
          %dma_wait3A_279 = tpu.memref_squeeze %dma_wait3A_278 : memref<1x1x128xi32, #tpu.memory_space<vmem>> -> memref<1x128xi32, #tpu.memory_space<vmem>>
          %dma_wait3A_280 = arith.constant 0 : i32
          %dma_wait3A_281 = tpu.memref_slice %arg3[%dma_wait3A_280, %mul3A_265] : memref<1x49152xi32, #tpu.memory_space<hbm>> -> memref<1x128xi32, #tpu.memory_space<hbm>>
          tpu.wait_dma2 semaphore(%dma_wait3A_275 : memref<!tpu.dma_semaphore, #tpu.memory_space<semaphore_mem>>) src(%dma_wait3A_281 : memref<1x128xi32, #tpu.memory_space<hbm>>) dst(%dma_wait3A_279 : memref<1x128xi32, #tpu.memory_space<vmem>>)
          "tpu.trace_stop"() : () -> ()
        } else {
        }
        %ne3A_185 = arith.cmpi ne, %add3A_131, %add3A_140 : i32
        %or3A_186 = arith.constant false
        %or3A_187 = arith.ori %or3A_186, %ne3A_185 : i1
        %or3A_188 = arith.constant false
        %or3A_189 = arith.ori %or3A_187, %or3A_188 : i1
        %or3A_190 = arith.ori %or3A_189, %eq3A_128 : i1
        %convert_element_type3A_191 = arith.extui %or3A_190 : i1 to i32
        %cond3A_192 = arith.constant 0 : i32
        %cond3A_193 = arith.cmpi ne, %convert_element_type3A_191, %cond3A_192 : i32
        scf.if %cond3A_193 {
        } else {
        }
        %rem3A_194 = arith.constant 2 : i32
        %rem3A_195 = arith.remui %scan3A_123, %rem3A_194 : i32
        %rem3A_196 = arith.constant 2 : i32
        %rem3A_197 = arith.remui %scan3A_124, %rem3A_196 : i32
        %run_scoped3A_198 = arith.constant 0 : i32
        "tpu.trace_start"() <{level = 10 : i32, message = "ep_run_kernel"}> : () -> ()
        "tpu.region"() ({
          %run_scoped3A_264 = tpu.sem_alloc : memref<!tpu.dma_semaphore, #tpu.memory_space<semaphore_mem>>
          %dma_start3A_265 = arith.constant 0 : i32
          %dma_start3A_266 = arith.constant 0 : i32
          %dma_start3A_267 = tpu.memref_slice %run_scoped3A_8[%rem3A_197, %dma_start3A_265, %dma_start3A_266] : memref<2x128x128xf32, #tpu.memory_space<vmem>> -> memref<1x128x128xf32, #tpu.memory_space<vmem>>
          %dma_start3A_268 = tpu.memref_squeeze %dma_start3A_267 : memref<1x128x128xf32, #tpu.memory_space<vmem>> -> memref<128x128xf32, #tpu.memory_space<vmem>>
          %dma_start3A_269 = arith.constant 0 : i32
          %dma_start3A_270 = arith.constant 0 : i32
          %dma_start3A_271 = tpu.memref_slice %run_scoped3A[%rem3A_195, %dma_start3A_269, %dma_start3A_270] : memref<2x1x128xi32, #tpu.memory_space<vmem>> -> memref<1x1x128xi32, #tpu.memory_space<vmem>>
          %dma_start3A_272 = tpu.memref_squeeze %dma_start3A_271 : memref<1x1x128xi32, #tpu.memory_space<vmem>> -> memref<1x128xi32, #tpu.memory_space<vmem>>
          %dma_start3A_273 = arith.constant 0 : i32
          %dma_start3A_274 = tpu.memref_slice %dma_start3A_272[%run_scoped3A_198, %dma_start3A_273] : memref<1x128xi32, #tpu.memory_space<vmem>> -> memref<1x128xi32, #tpu.memory_space<vmem>>
          %dma_start3A_275 = tpu.memref_squeeze %dma_start3A_274 : memref<1x128xi32, #tpu.memory_space<vmem>> -> memref<128xi32, #tpu.memory_space<vmem>>
          %dma_start3A_276 = arith.constant 0 : i32
          %dma_start3A_277 = arith.constant 0 : i32
          %dma_start3A_278 = tpu.memref_slice %arg2[%dma_start3A_276, %dma_start3A_277] : memref<4096x128xf32, #tpu.memory_space<hbm>> -> memref<4096x128xf32, #tpu.memory_space<hbm>>
          tpu.enqueue_indirect_dma source(%dma_start3A_278 : memref<4096x128xf32, #tpu.memory_space<hbm>>) target(%dma_start3A_268 : memref<128x128xf32, #tpu.memory_space<vmem>>) offsets(%dma_start3A_275 : memref<128xi32, #tpu.memory_space<vmem>>) semaphore(%run_scoped3A_264 : memref<!tpu.dma_semaphore, #tpu.memory_space<semaphore_mem>>)
          %dma_wait3A_279 = arith.constant 0 : i32
          %dma_wait3A_280 = arith.constant 0 : i32
          %dma_wait3A_281 = tpu.memref_slice %run_scoped3A_8[%rem3A_197, %dma_wait3A_279, %dma_wait3A_280] : memref<2x128x128xf32, #tpu.memory_space<vmem>> -> memref<1x128x128xf32, #tpu.memory_space<vmem>>
          %dma_wait3A_282 = tpu.memref_squeeze %dma_wait3A_281 : memref<1x128x128xf32, #tpu.memory_space<vmem>> -> memref<128x128xf32, #tpu.memory_space<vmem>>
          %dma_wait3A_283 = arith.constant 0 : i32
          %dma_wait3A_284 = arith.constant 0 : i32
          %dma_wait3A_285 = tpu.memref_slice %run_scoped3A[%rem3A_195, %dma_wait3A_283, %dma_wait3A_284] : memref<2x1x128xi32, #tpu.memory_space<vmem>> -> memref<1x1x128xi32, #tpu.memory_space<vmem>>
          %dma_wait3A_286 = tpu.memref_squeeze %dma_wait3A_285 : memref<1x1x128xi32, #tpu.memory_space<vmem>> -> memref<1x128xi32, #tpu.memory_space<vmem>>
          %dma_wait3A_287 = arith.constant 0 : i32
          %dma_wait3A_288 = tpu.memref_slice %dma_wait3A_286[%run_scoped3A_198, %dma_wait3A_287] : memref<1x128xi32, #tpu.memory_space<vmem>> -> memref<1x128xi32, #tpu.memory_space<vmem>>
          %dma_wait3A_289 = tpu.memref_squeeze %dma_wait3A_288 : memref<1x128xi32, #tpu.memory_space<vmem>> -> memref<128xi32, #tpu.memory_space<vmem>>
          %dma_wait3A_290 = arith.constant 0 : i32
          %dma_wait3A_291 = arith.constant 0 : i32
          %dma_wait3A_292 = tpu.memref_slice %arg2[%dma_wait3A_290, %dma_wait3A_291] : memref<4096x128xf32, #tpu.memory_space<hbm>> -> memref<4096x128xf32, #tpu.memory_space<hbm>>
          tpu.wait_indirect_dma semaphore(%run_scoped3A_264 : memref<!tpu.dma_semaphore, #tpu.memory_space<semaphore_mem>>) src(%dma_wait3A_292 : memref<4096x128xf32, #tpu.memory_space<hbm>>) dst(%dma_wait3A_282 : memref<128x128xf32, #tpu.memory_space<vmem>>)
          tpu.yield
        }) : () -> ()
        "tpu.trace_stop"() : () -> ()
        %ne3A_199 = arith.cmpi ne, %add3A_131, %add3A_149 : i32
        %or3A_200 = arith.constant false
        %or3A_201 = arith.ori %or3A_200, %ne3A_199 : i1
        %or3A_202 = arith.ori %or3A_201, %eq3A_130 : i1
        %convert_element_type3A_203 = arith.extui %or3A_202 : i1 to i32
        %cond3A_204 = arith.constant 0 : i32
        %cond3A_205 = arith.cmpi ne, %convert_element_type3A_203, %cond3A_204 : i32
        scf.if %cond3A_205 {
        } else {
        }
        %and3A_206 = arith.constant false
        %and3A_207 = arith.andi %or3A_202, %and3A_206 : i1
        %ne3A_208 = arith.cmpi ne, %add3A_131, %add3A_149 : i32
        %or3A_209 = arith.constant false
        %or3A_210 = arith.ori %or3A_209, %ne3A_208 : i1
        %or3A_211 = arith.constant false
        %or3A_212 = arith.ori %or3A_210, %or3A_211 : i1
        %or3A_213 = arith.ori %or3A_212, %eq3A_130 : i1
        %convert_element_type3A_214 = arith.extui %or3A_213 : i1 to i32
        %cond3A_215 = arith.constant 0 : i32
        %cond3A_216 = arith.cmpi ne, %convert_element_type3A_214, %cond3A_215 : i32
        scf.if %cond3A_216 {
          "tpu.trace_start"() <{level = 10 : i32, message = "ep_copy_out"}> : () -> ()
          %rem3A_264 = arith.constant 2 : i32
          %rem3A_265 = arith.remui %scan3A_124, %rem3A_264 : i32
          %mul3A_266 = arith.constant 128 : i32
          %mul3A_267 = arith.muli %mul3A_266, %add3A_131 : i32
          %dma_start3A_268 = arith.constant 0 : i32
          %dma_start3A_269 = arith.constant 0 : i32
          %dma_start3A_270 = tpu.memref_slice %run_scoped3A_8[%rem3A_265, %dma_start3A_268, %dma_start3A_269] : memref<2x128x128xf32, #tpu.memory_space<vmem>> -> memref<1x128x128xf32, #tpu.memory_space<vmem>>
          %dma_start3A_271 = tpu.memref_squeeze %dma_start3A_270 : memref<1x128x128xf32, #tpu.memory_space<vmem>> -> memref<128x128xf32, #tpu.memory_space<vmem>>
          %dma_start3A_272 = arith.constant 0 : i32
          %dma_start3A_273 = tpu.memref_slice %arg4[%mul3A_267, %dma_start3A_272] : memref<49152x128xf32, #tpu.memory_space<hbm>> -> memref<128x128xf32, #tpu.memory_space<hbm>>
          %dma_start3A_274 = tpu.memref_slice %run_scoped3A_9[%rem3A_265] : memref<2x!tpu.dma_semaphore, #tpu.memory_space<semaphore_mem>> -> memref<1x!tpu.dma_semaphore, #tpu.memory_space<semaphore_mem>>
          %dma_start3A_275 = tpu.memref_squeeze %dma_start3A_274 : memref<1x!tpu.dma_semaphore, #tpu.memory_space<semaphore_mem>> -> memref<!tpu.dma_semaphore, #tpu.memory_space<semaphore_mem>>
          %dma_start3A_276 = arith.constant 0 : i32
          %dma_start3A_277 = tpu.memref_slice %arg4[%mul3A_267, %dma_start3A_276] : memref<49152x128xf32, #tpu.memory_space<hbm>> -> memref<128x128xf32, #tpu.memory_space<hbm>>
          %dma_start3A_278 = arith.constant 0 : i32
          %dma_start3A_279 = arith.constant 0 : i32
          %dma_start3A_280 = tpu.memref_slice %run_scoped3A_8[%rem3A_265, %dma_start3A_278, %dma_start3A_279] : memref<2x128x128xf32, #tpu.memory_space<vmem>> -> memref<1x128x128xf32, #tpu.memory_space<vmem>>
          %dma_start3A_281 = tpu.memref_squeeze %dma_start3A_280 : memref<1x128x128xf32, #tpu.memory_space<vmem>> -> memref<128x128xf32, #tpu.memory_space<vmem>>
          tpu.enqueue_dma source(%dma_start3A_281 : memref<128x128xf32, #tpu.memory_space<vmem>>) target(%dma_start3A_277 : memref<128x128xf32, #tpu.memory_space<hbm>>) target_semaphore(%dma_start3A_275 : memref<!tpu.dma_semaphore, #tpu.memory_space<semaphore_mem>>)
          "tpu.trace_stop"() : () -> ()
        } else {
        }
        %and3A_217 = arith.constant true
        %and3A_218 = arith.andi %or3A_213, %and3A_217 : i1
        %add3A_219 = arith.constant 1 : i32
        %add3A_220 = arith.addi %scan3A_124, %add3A_219 : i32
        %select_n3A_221 = arith.select %and3A_218, %add3A_220, %scan3A_124 : i32
        %ne3A_222 = arith.cmpi ne, %add3A_131, %add3A_140 : i32
        %or3A_223 = arith.constant false
        %or3A_224 = arith.ori %or3A_223, %ne3A_222 : i1
        %not3A_225 = arith.constant true
        %not3A_226 = arith.xori %eq3A_128, %not3A_225 : i1
        %and3A_227 = arith.andi %or3A_224, %not3A_226 : i1
        %convert_element_type3A_228 = arith.extui %and3A_227 : i1 to i32
        %cond3A_229 = arith.constant 0 : i32
        %cond3A_230 = arith.cmpi ne, %convert_element_type3A_228, %cond3A_229 : i32
        scf.if %cond3A_230 {
        } else {
        }
        %and3A_231 = arith.constant false
        %and3A_232 = arith.andi %and3A_227, %and3A_231 : i1
        %ne3A_233 = arith.cmpi ne, %add3A_131, %add3A_140 : i32
        %or3A_234 = arith.constant false
        %or3A_235 = arith.ori %or3A_234, %ne3A_233 : i1
        %or3A_236 = arith.constant false
        %or3A_237 = arith.ori %or3A_235, %or3A_236 : i1
        %not3A_238 = arith.constant true
        %not3A_239 = arith.xori %eq3A_128, %not3A_238 : i1
        %and3A_240 = arith.andi %or3A_237, %not3A_239 : i1
        %convert_element_type3A_241 = arith.extui %and3A_240 : i1 to i32
        %cond3A_242 = arith.constant 0 : i32
        %cond3A_243 = arith.cmpi ne, %convert_element_type3A_241, %cond3A_242 : i32
        scf.if %cond3A_243 {
          "tpu.trace_start"() <{level = 10 : i32, message = "ep_wait_out"}> : () -> ()
          %rem3A_264 = arith.constant 2 : i32
          %rem3A_265 = arith.remui %scan3A_125, %rem3A_264 : i32
          %mul3A_266 = arith.constant 128 : i32
          %mul3A_267 = arith.muli %mul3A_266, %add3A_140 : i32
          %dma_wait3A_268 = arith.constant 0 : i32
          %dma_wait3A_269 = arith.constant 0 : i32
          %dma_wait3A_270 = tpu.memref_slice %run_scoped3A_8[%rem3A_265, %dma_wait3A_268, %dma_wait3A_269] : memref<2x128x128xf32, #tpu.memory_space<vmem>> -> memref<1x128x128xf32, #tpu.memory_space<vmem>>
          %dma_wait3A_271 = tpu.memref_squeeze %dma_wait3A_270 : memref<1x128x128xf32, #tpu.memory_space<vmem>> -> memref<128x128xf32, #tpu.memory_space<vmem>>
          %dma_wait3A_272 = arith.constant 0 : i32
          %dma_wait3A_273 = tpu.memref_slice %arg4[%mul3A_267, %dma_wait3A_272] : memref<49152x128xf32, #tpu.memory_space<hbm>> -> memref<128x128xf32, #tpu.memory_space<hbm>>
          %dma_wait3A_274 = tpu.memref_slice %run_scoped3A_9[%rem3A_265] : memref<2x!tpu.dma_semaphore, #tpu.memory_space<semaphore_mem>> -> memref<1x!tpu.dma_semaphore, #tpu.memory_space<semaphore_mem>>
          %dma_wait3A_275 = tpu.memref_squeeze %dma_wait3A_274 : memref<1x!tpu.dma_semaphore, #tpu.memory_space<semaphore_mem>> -> memref<!tpu.dma_semaphore, #tpu.memory_space<semaphore_mem>>
          %dma_wait3A_276 = arith.constant 0 : i32
          %dma_wait3A_277 = tpu.memref_slice %arg4[%mul3A_267, %dma_wait3A_276] : memref<49152x128xf32, #tpu.memory_space<hbm>> -> memref<128x128xf32, #tpu.memory_space<hbm>>
          %dma_wait3A_278 = arith.constant 0 : i32
          %dma_wait3A_279 = arith.constant 0 : i32
          %dma_wait3A_280 = tpu.memref_slice %run_scoped3A_8[%rem3A_265, %dma_wait3A_278, %dma_wait3A_279] : memref<2x128x128xf32, #tpu.memory_space<vmem>> -> memref<1x128x128xf32, #tpu.memory_space<vmem>>
          %dma_wait3A_281 = tpu.memref_squeeze %dma_wait3A_280 : memref<1x128x128xf32, #tpu.memory_space<vmem>> -> memref<128x128xf32, #tpu.memory_space<vmem>>
          tpu.wait_dma2 semaphore(%dma_wait3A_275 : memref<!tpu.dma_semaphore, #tpu.memory_space<semaphore_mem>>) src(%dma_wait3A_281 : memref<128x128xf32, #tpu.memory_space<vmem>>) dst(%dma_wait3A_277 : memref<128x128xf32, #tpu.memory_space<hbm>>)
          "tpu.trace_stop"() : () -> ()
        } else {
        }
        %and3A_244 = arith.constant true
        %and3A_245 = arith.andi %and3A_240, %and3A_244 : i1
        %add3A_246 = arith.constant 1 : i32
        %add3A_247 = arith.addi %scan3A_125, %add3A_246 : i32
        %select_n3A_248 = arith.select %and3A_245, %add3A_247, %scan3A_125 : i32
        %ne3A_249 = arith.cmpi ne, %add3A_131, %add3A_149 : i32
        %or3A_250 = arith.constant false
        %or3A_251 = arith.ori %or3A_250, %ne3A_249 : i1
        %or3A_252 = arith.ori %or3A_251, %eq3A_130 : i1
        %add3A_253 = arith.constant 1 : i32
        %add3A_254 = arith.addi %scan3A_123, %add3A_253 : i32
        %select_n3A_255 = arith.select %or3A_252, %add3A_254, %scan3A_123 : i32
        %add3A_256 = arith.constant 1 : i32
        %add3A_257 = arith.addi %scan3A_126, %add3A_256 : i32
        %select_n3A_258 = arith.constant true
        %select_n3A_259 = arith.select %select_n3A_258, %add3A_257, %scan3A_126 : i32
        %eq3A_260 = arith.constant 12 : i32
        %eq3A_261 = arith.cmpi eq, %select_n3A_259, %eq3A_260 : i32
        %select_n3A_262 = arith.constant 0 : i32
        %select_n3A_263 = arith.select %eq3A_261, %select_n3A_262, %select_n3A_259 : i32
        scf.yield %select_n3A_167, %select_n3A_255, %select_n3A_221, %select_n3A_248, %select_n3A_263 : i32, i32, i32, i32, i32
      }
      %scan3A_68 = arith.constant 12 : i32
      %sub3A = arith.constant 1 : i32
      %sub3A_69 = arith.subi %scan3A_67#4, %sub3A : i32
      %select_n3A_70 = arith.constant true
      %select_n3A_71 = arith.select %select_n3A_70, %sub3A_69, %scan3A_67#4 : i32
      %eq3A_72 = arith.constant -1 : i32
      %eq3A_73 = arith.cmpi eq, %select_n3A_71, %eq3A_72 : i32
      %select_n3A_74 = arith.constant 11 : i32
      %select_n3A_75 = arith.select %eq3A_73, %select_n3A_74, %select_n3A_71 : i32
      %add3A_76 = arith.addi %select_n3A_75, %mul3A_6 : i32
      %sub3A_77 = arith.constant 1 : i32
      %sub3A_78 = arith.subi %select_n3A_75, %sub3A_77 : i32
      %select_n3A_79 = arith.constant true
      %select_n3A_80 = arith.select %select_n3A_79, %sub3A_78, %select_n3A_75 : i32
      %eq3A_81 = arith.constant -1 : i32
      %eq3A_82 = arith.cmpi eq, %select_n3A_80, %eq3A_81 : i32
      %select_n3A_83 = arith.constant 11 : i32
      %select_n3A_84 = arith.select %eq3A_82, %select_n3A_83, %select_n3A_80 : i32
      %add3A_85 = arith.addi %select_n3A_84, %mul3A_6 : i32
      %add3A_86 = arith.constant 1 : i32
      %add3A_87 = arith.addi %select_n3A_75, %add3A_86 : i32
      %select_n3A_88 = arith.constant true
      %select_n3A_89 = arith.select %select_n3A_88, %add3A_87, %select_n3A_75 : i32
      %eq3A_90 = arith.constant 12 : i32
      %eq3A_91 = arith.cmpi eq, %select_n3A_89, %eq3A_90 : i32
      %select_n3A_92 = arith.constant 0 : i32
      %select_n3A_93 = arith.select %eq3A_91, %select_n3A_92, %select_n3A_89 : i32
      %add3A_94 = arith.addi %select_n3A_93, %mul3A_6 : i32
      %add3A_95 = arith.constant 1 : i32
      %add3A_96 = arith.addi %select_n3A_93, %add3A_95 : i32
      %select_n3A_97 = arith.constant true
      %select_n3A_98 = arith.select %select_n3A_97, %add3A_96, %select_n3A_93 : i32
      %eq3A_99 = arith.constant 12 : i32
      %eq3A_100 = arith.cmpi eq, %select_n3A_98, %eq3A_99 : i32
      %select_n3A_101 = arith.constant 0 : i32
      %select_n3A_102 = arith.select %eq3A_100, %select_n3A_101, %select_n3A_98 : i32
      %add3A_103 = arith.addi %select_n3A_102, %mul3A_6 : i32
      "tpu.trace_start"() <{level = 10 : i32, message = "ep_finalize"}> : () -> ()
      %rem3A_104 = arith.constant 2 : i32
      %rem3A_105 = arith.remui %scan3A_67#3, %rem3A_104 : i32
      %mul3A_106 = arith.constant 128 : i32
      %mul3A_107 = arith.muli %mul3A_106, %add3A_76 : i32
      %dma_wait3A = arith.constant 0 : i32
      %dma_wait3A_108 = arith.constant 0 : i32
      %dma_wait3A_109 = tpu.memref_slice %run_scoped3A_8[%rem3A_105, %dma_wait3A, %dma_wait3A_108] : memref<2x128x128xf32, #tpu.memory_space<vmem>> -> memref<1x128x128xf32, #tpu.memory_space<vmem>>
      %dma_wait3A_110 = tpu.memref_squeeze %dma_wait3A_109 : memref<1x128x128xf32, #tpu.memory_space<vmem>> -> memref<128x128xf32, #tpu.memory_space<vmem>>
      %dma_wait3A_111 = arith.constant 0 : i32
      %dma_wait3A_112 = tpu.memref_slice %arg4[%mul3A_107, %dma_wait3A_111] : memref<49152x128xf32, #tpu.memory_space<hbm>> -> memref<128x128xf32, #tpu.memory_space<hbm>>
      %dma_wait3A_113 = tpu.memref_slice %run_scoped3A_9[%rem3A_105] : memref<2x!tpu.dma_semaphore, #tpu.memory_space<semaphore_mem>> -> memref<1x!tpu.dma_semaphore, #tpu.memory_space<semaphore_mem>>
      %dma_wait3A_114 = tpu.memref_squeeze %dma_wait3A_113 : memref<1x!tpu.dma_semaphore, #tpu.memory_space<semaphore_mem>> -> memref<!tpu.dma_semaphore, #tpu.memory_space<semaphore_mem>>
      %dma_wait3A_115 = arith.constant 0 : i32
      %dma_wait3A_116 = tpu.memref_slice %arg4[%mul3A_107, %dma_wait3A_115] : memref<49152x128xf32, #tpu.memory_space<hbm>> -> memref<128x128xf32, #tpu.memory_space<hbm>>
      %dma_wait3A_117 = arith.constant 0 : i32
      %dma_wait3A_118 = arith.constant 0 : i32
      %dma_wait3A_119 = tpu.memref_slice %run_scoped3A_8[%rem3A_105, %dma_wait3A_117, %dma_wait3A_118] : memref<2x128x128xf32, #tpu.memory_space<vmem>> -> memref<1x128x128xf32, #tpu.memory_space<vmem>>
      %dma_wait3A_120 = tpu.memref_squeeze %dma_wait3A_119 : memref<1x128x128xf32, #tpu.memory_space<vmem>> -> memref<128x128xf32, #tpu.memory_space<vmem>>
      tpu.wait_dma2 semaphore(%dma_wait3A_114 : memref<!tpu.dma_semaphore, #tpu.memory_space<semaphore_mem>>) src(%dma_wait3A_120 : memref<128x128xf32, #tpu.memory_space<vmem>>) dst(%dma_wait3A_116 : memref<128x128xf32, #tpu.memory_space<hbm>>)
      "tpu.trace_stop"() : () -> ()
      tpu.yield
    }) : () -> ()
    return
  }
}

#map = affine_map<(d0, d1) -> (0, 0)>
module attributes {stable_mosaic.version = 14 : i64} {
  func.func @_gather_kernel(%arg0: i32, %arg1: i32, %arg2: memref<4096x128xf32, #tpu.memory_space<hbm>>, %arg3: memref<1x49152xi32, #tpu.memory_space<hbm>>, %arg4: memref<49152x128xf32, #tpu.memory_space<hbm>>) attributes {dimension_semantics = [#tpu.dimension_semantics<core_parallel>, #tpu.dimension_semantics<subcore_parallel>], iteration_bounds = array<i64: 2, 16>, scalar_prefetch = 0 : i64, scratch_operands = 0 : i64, tpu.core_type = #tpu.core_type<sc_vector_subcore>, window_params = [{transform_indices = #map}, {transform_indices = #map}, {transform_indices = #map}]} {
    %mul3A = arith.constant 1 : i32
    %mul3A_0 = arith.muli %arg1, %mul3A : i32
    %add3A = arith.constant 0 : i32
    %add3A_1 = arith.addi %add3A, %mul3A_0 : i32
    %mul3A_2 = arith.constant 16 : i32
    %mul3A_3 = arith.muli %arg0, %mul3A_2 : i32
    %add3A_4 = arith.addi %add3A_1, %mul3A_3 : i32
    %mul3A_5 = arith.constant 12 : i32
    %mul3A_6 = arith.muli %add3A_4, %mul3A_5 : i32
    "tpu.region"() ({
      %run_scoped3A = memref.alloca() : memref<2x1x128xi32, #tpu.memory_space<vmem>>
      %run_scoped3A_7 = tpu.sem_alloc : memref<2x!tpu.dma_semaphore, #tpu.memory_space<semaphore_mem>>
      %run_scoped3A_8 = memref.alloca() : memref<2x128x128xf32, #tpu.memory_space<vmem>>
      %run_scoped3A_9 = tpu.sem_alloc : memref<2x!tpu.dma_semaphore, #tpu.memory_space<semaphore_mem>>
      %add3A_10 = arith.constant 0 : i32
      %add3A_11 = arith.addi %add3A_10, %mul3A_6 : i32
      %select_n3A = arith.constant true
      %select_n3A_12 = arith.constant 0 : i32
      %select_n3A_13 = arith.constant -1 : i32
      %select_n3A_14 = arith.select %select_n3A, %select_n3A_13, %select_n3A_12 : i32
      %eq3A = arith.constant -1 : i32
      %eq3A_15 = arith.cmpi eq, %select_n3A_14, %eq3A : i32
      %select_n3A_16 = arith.constant 11 : i32
      %select_n3A_17 = arith.select %eq3A_15, %select_n3A_16, %select_n3A_14 : i32
      %add3A_18 = arith.addi %select_n3A_17, %mul3A_6 : i32
      %select_n3A_19 = arith.constant true
      %select_n3A_20 = arith.constant 0 : i32
      %select_n3A_21 = arith.constant 1 : i32
      %select_n3A_22 = arith.select %select_n3A_19, %select_n3A_21, %select_n3A_20 : i32
      %eq3A_23 = arith.constant 12 : i32
      %eq3A_24 = arith.cmpi eq, %select_n3A_22, %eq3A_23 : i32
      %select_n3A_25 = arith.constant 0 : i32
      %select_n3A_26 = arith.select %eq3A_24, %select_n3A_25, %select_n3A_22 : i32
      %add3A_27 = arith.addi %select_n3A_26, %mul3A_6 : i32
      %add3A_28 = arith.constant 1 : i32
      %add3A_29 = arith.addi %select_n3A_26, %add3A_28 : i32
      %select_n3A_30 = arith.constant true
      %select_n3A_31 = arith.select %select_n3A_30, %add3A_29, %select_n3A_26 : i32
      %eq3A_32 = arith.constant 12 : i32
      %eq3A_33 = arith.cmpi eq, %select_n3A_31, %eq3A_32 : i32
      %select_n3A_34 = arith.constant 0 : i32
      %select_n3A_35 = arith.select %eq3A_33, %select_n3A_34, %select_n3A_31 : i32
      %add3A_36 = arith.addi %select_n3A_35, %mul3A_6 : i32
      "tpu.trace_start"() <{level = 10 : i32, message = "ep_initialize_0"}> : () -> ()
      %rem3A = arith.constant 0 : i32
      %rem3A_37 = arith.constant 2 : i32
      %rem3A_38 = arith.remui %rem3A, %rem3A_37 : i32
      %mul3A_39 = arith.constant 128 : i32
      %mul3A_40 = arith.muli %mul3A_39, %add3A_11 : i32
      %dma_start3A = arith.constant 0 : i32
      %dma_start3A_41 = arith.constant 0 : i32
      %dma_start3A_42 = tpu.memref_slice %run_scoped3A[%rem3A_38, %dma_start3A, %dma_start3A_41] : memref<2x1x128xi32, #tpu.memory_space<vmem>> -> memref<1x1x128xi32, #tpu.memory_space<vmem>>
      %dma_start3A_43 = tpu.memref_squeeze %dma_start3A_42 : memref<1x1x128xi32, #tpu.memory_space<vmem>> -> memref<1x128xi32, #tpu.memory_space<vmem>>
      %dma_start3A_44 = arith.constant 0 : i32
      %dma_start3A_45 = tpu.memref_slice %arg3[%dma_start3A_44, %mul3A_40] : memref<1x49152xi32, #tpu.memory_space<hbm>> -> memref<1x128xi32, #tpu.memory_space<hbm>>
      %dma_start3A_46 = tpu.memref_slice %run_scoped3A_7[%rem3A_38] : memref<2x!tpu.dma_semaphore, #tpu.memory_space<semaphore_mem>> -> memref<1x!tpu.dma_semaphore, #tpu.memory_space<semaphore_mem>>
      %dma_start3A_47 = tpu.memref_squeeze %dma_start3A_46 : memref<1x!tpu.dma_semaphore, #tpu.memory_space<semaphore_mem>> -> memref<!tpu.dma_semaphore, #tpu.memory_space<semaphore_mem>>
      %dma_start3A_48 = arith.constant 0 : i32
      %dma_start3A_49 = arith.constant 0 : i32
      %dma_start3A_50 = tpu.memref_slice %run_scoped3A[%rem3A_38, %dma_start3A_48, %dma_start3A_49] : memref<2x1x128xi32, #tpu.memory_space<vmem>> -> memref<1x1x128xi32, #tpu.memory_space<vmem>>
      %dma_start3A_51 = tpu.memref_squeeze %dma_start3A_50 : memref<1x1x128xi32, #tpu.memory_space<vmem>> -> memref<1x128xi32, #tpu.memory_space<vmem>>
      %dma_start3A_52 = arith.constant 0 : i32
      %dma_start3A_53 = tpu.memref_slice %arg3[%dma_start3A_52, %mul3A_40] : memref<1x49152xi32, #tpu.memory_space<hbm>> -> memref<1x128xi32, #tpu.memory_space<hbm>>
      tpu.enqueue_dma source(%dma_start3A_53 : memref<1x128xi32, #tpu.memory_space<hbm>>) target(%dma_start3A_51 : memref<1x128xi32, #tpu.memory_space<vmem>>) target_semaphore(%dma_start3A_47 : memref<!tpu.dma_semaphore, #tpu.memory_space<semaphore_mem>>)
      %add3A_54 = arith.constant 0 : i32
      %add3A_55 = arith.constant 1 : i32
      %add3A_56 = arith.addi %add3A_54, %add3A_55 : i32
      %select_n3A_57 = arith.constant true
      %select_n3A_58 = arith.constant 0 : i32
      %select_n3A_59 = arith.select %select_n3A_57, %add3A_56, %select_n3A_58 : i32
      "tpu.trace_stop"() : () -> ()
      %scan3A = arith.constant 0 : i32
      %scan3A_60 = arith.constant 0 : i32
      %scan3A_61 = arith.constant 0 : i32
      %scan3A_62 = arith.constant 0 : i32
      %scan3A_63 = arith.constant 0 : i32
      %scan3A_64 = arith.constant 12 : i32
      %scan3A_65 = arith.addi %scan3A_63, %scan3A_64 : i32
      %scan3A_66 = arith.constant 1 : i32
      %scan3A_67:5 = scf.for %scan3A_121 = %scan3A_63 to %scan3A_65 step %scan3A_66 iter_args(%scan3A_122 = %select_n3A_59, %scan3A_123 = %scan3A, %scan3A_124 = %scan3A_60, %scan3A_125 = %scan3A_61, %scan3A_126 = %scan3A_62) -> (i32, i32, i32, i32, i32)  : i32 {
        %eq3A_127 = arith.constant 0 : i32
        %eq3A_128 = arith.cmpi eq, %scan3A_121, %eq3A_127 : i32
        %eq3A_129 = arith.constant 11 : i32
        %eq3A_130 = arith.cmpi eq, %scan3A_121, %eq3A_129 : i32
        %add3A_131 = arith.addi %scan3A_126, %mul3A_6 : i32
        %sub3A_132 = arith.constant 1 : i32
        %sub3A_133 = arith.subi %scan3A_126, %sub3A_132 : i32
        %select_n3A_134 = arith.constant true
        %select_n3A_135 = arith.select %select_n3A_134, %sub3A_133, %scan3A_126 : i32
        %eq3A_136 = arith.constant -1 : i32
        %eq3A_137 = arith.cmpi eq, %select_n3A_135, %eq3A_136 : i32
        %select_n3A_138 = arith.constant 11 : i32
        %select_n3A_139 = arith.select %eq3A_137, %select_n3A_138, %select_n3A_135 : i32
        %add3A_140 = arith.addi %select_n3A_139, %mul3A_6 : i32
        %add3A_141 = arith.constant 1 : i32
        %add3A_142 = arith.addi %scan3A_126, %add3A_141 : i32
        %select_n3A_143 = arith.constant true
        %select_n3A_144 = arith.select %select_n3A_143, %add3A_142, %scan3A_126 : i32
        %eq3A_145 = arith.constant 12 : i32
        %eq3A_146 = arith.cmpi eq, %select_n3A_144, %eq3A_145 : i32
        %select_n3A_147 = arith.constant 0 : i32
        %select_n3A_148 = arith.select %eq3A_146, %select_n3A_147, %select_n3A_144 : i32
        %add3A_149 = arith.addi %select_n3A_148, %mul3A_6 : i32
        %add3A_150 = arith.constant 1 : i32
        %add3A_151 = arith.addi %select_n3A_148, %add3A_150 : i32
        %select_n3A_152 = arith.constant true
        %select_n3A_153 = arith.select %select_n3A_152, %add3A_151, %select_n3A_148 : i32
        %eq3A_154 = arith.constant 12 : i32
        %eq3A_155 = arith.cmpi eq, %select_n3A_153, %eq3A_154 : i32
        %select_n3A_156 = arith.constant 0 : i32
        %select_n3A_157 = arith.select %eq3A_155, %select_n3A_156, %select_n3A_153 : i32
        %add3A_158 = arith.addi %select_n3A_157, %mul3A_6 : i32
        %ne3A = arith.cmpi ne, %add3A_131, %add3A_149 : i32
        %or3A = arith.constant false
        %or3A_159 = arith.ori %or3A, %ne3A : i1
        %ge3A = arith.constant 11 : i32
        %ge3A_160 = arith.cmpi sge, %scan3A_121, %ge3A : i32
        %not3A = arith.constant true
        %not3A_161 = arith.xori %ge3A_160, %not3A : i1
        %and3A = arith.andi %or3A_159, %not3A_161 : i1
        %convert_element_type3A = arith.extui %and3A : i1 to i32
        %cond3A = arith.constant 0 : i32
        %cond3A_162 = arith.cmpi ne, %convert_element_type3A, %cond3A : i32
        scf.if %cond3A_162 {
          "tpu.trace_start"() <{level = 10 : i32, message = "ep_copy_in"}> : () -> ()
          %rem3A_264 = arith.constant 2 : i32
          %rem3A_265 = arith.remui %scan3A_122, %rem3A_264 : i32
          %mul3A_266 = arith.constant 128 : i32
          %mul3A_267 = arith.muli %mul3A_266, %add3A_149 : i32
          %dma_start3A_268 = arith.constant 0 : i32
          %dma_start3A_269 = arith.constant 0 : i32
          %dma_start3A_270 = tpu.memref_slice %run_scoped3A[%rem3A_265, %dma_start3A_268, %dma_start3A_269] : memref<2x1x128xi32, #tpu.memory_space<vmem>> -> memref<1x1x128xi32, #tpu.memory_space<vmem>>
          %dma_start3A_271 = tpu.memref_squeeze %dma_start3A_270 : memref<1x1x128xi32, #tpu.memory_space<vmem>> -> memref<1x128xi32, #tpu.memory_space<vmem>>
          %dma_start3A_272 = arith.constant 0 : i32
          %dma_start3A_273 = tpu.memref_slice %arg3[%dma_start3A_272, %mul3A_267] : memref<1x49152xi32, #tpu.memory_space<hbm>> -> memref<1x128xi32, #tpu.memory_space<hbm>>
          %dma_start3A_274 = tpu.memref_slice %run_scoped3A_7[%rem3A_265] : memref<2x!tpu.dma_semaphore, #tpu.memory_space<semaphore_mem>> -> memref<1x!tpu.dma_semaphore, #tpu.memory_space<semaphore_mem>>
          %dma_start3A_275 = tpu.memref_squeeze %dma_start3A_274 : memref<1x!tpu.dma_semaphore, #tpu.memory_space<semaphore_mem>> -> memref<!tpu.dma_semaphore, #tpu.memory_space<semaphore_mem>>
          %dma_start3A_276 = arith.constant 0 : i32
          %dma_start3A_277 = arith.constant 0 : i32
          %dma_start3A_278 = tpu.memref_slice %run_scoped3A[%rem3A_265, %dma_start3A_276, %dma_start3A_277] : memref<2x1x128xi32, #tpu.memory_space<vmem>> -> memref<1x1x128xi32, #tpu.memory_space<vmem>>
          %dma_start3A_279 = tpu.memref_squeeze %dma_start3A_278 : memref<1x1x128xi32, #tpu.memory_space<vmem>> -> memref<1x128xi32, #tpu.memory_space<vmem>>
          %dma_start3A_280 = arith.constant 0 : i32
          %dma_start3A_281 = tpu.memref_slice %arg3[%dma_start3A_280, %mul3A_267] : memref<1x49152xi32, #tpu.memory_space<hbm>> -> memref<1x128xi32, #tpu.memory_space<hbm>>
          tpu.enqueue_dma source(%dma_start3A_281 : memref<1x128xi32, #tpu.memory_space<hbm>>) target(%dma_start3A_279 : memref<1x128xi32, #tpu.memory_space<vmem>>) target_semaphore(%dma_start3A_275 : memref<!tpu.dma_semaphore, #tpu.memory_space<semaphore_mem>>)
          "tpu.trace_stop"() : () -> ()
        } else {
        }
        %and3A_163 = arith.constant true
        %and3A_164 = arith.andi %and3A, %and3A_163 : i1
        %add3A_165 = arith.constant 1 : i32
        %add3A_166 = arith.addi %scan3A_122, %add3A_165 : i32
        %select_n3A_167 = arith.select %and3A_164, %add3A_166, %scan3A_122 : i32
        %ne3A_168 = arith.cmpi ne, %add3A_131, %add3A_149 : i32
        %or3A_169 = arith.constant false
        %or3A_170 = arith.ori %or3A_169, %ne3A_168 : i1
        %or3A_171 = arith.constant false
        %or3A_172 = arith.ori %or3A_170, %or3A_171 : i1
        %ge3A_173 = arith.constant 11 : i32
        %ge3A_174 = arith.cmpi sge, %scan3A_121, %ge3A_173 : i32
        %not3A_175 = arith.constant true
        %not3A_176 = arith.xori %ge3A_174, %not3A_175 : i1
        %and3A_177 = arith.andi %or3A_172, %not3A_176 : i1
        %ne3A_178 = arith.cmpi ne, %add3A_131, %add3A_140 : i32
        %or3A_179 = arith.constant false
        %or3A_180 = arith.ori %or3A_179, %ne3A_178 : i1
        %or3A_181 = arith.ori %or3A_180, %eq3A_128 : i1
        %convert_element_type3A_182 = arith.extui %or3A_181 : i1 to i32
        %cond3A_183 = arith.constant 0 : i32
        %cond3A_184 = arith.cmpi ne, %convert_element_type3A_182, %cond3A_183 : i32
        scf.if %cond3A_184 {
          "tpu.trace_start"() <{level = 10 : i32, message = "ep_wait_in"}> : () -> ()
          %mul3A_264 = arith.constant 128 : i32
          %mul3A_265 = arith.muli %mul3A_264, %add3A_131 : i32
          %rem3A_266 = arith.constant 2 : i32
          %rem3A_267 = arith.remui %scan3A_123, %rem3A_266 : i32
          %dma_wait3A_268 = arith.constant 0 : i32
          %dma_wait3A_269 = arith.constant 0 : i32
          %dma_wait3A_270 = tpu.memref_slice %run_scoped3A[%rem3A_267, %dma_wait3A_268, %dma_wait3A_269] : memref<2x1x128xi32, #tpu.memory_space<vmem>> -> memref<1x1x128xi32, #tpu.memory_space<vmem>>
          %dma_wait3A_271 = tpu.memref_squeeze %dma_wait3A_270 : memref<1x1x128xi32, #tpu.memory_space<vmem>> -> memref<1x128xi32, #tpu.memory_space<vmem>>
          %dma_wait3A_272 = arith.constant 0 : i32
          %dma_wait3A_273 = tpu.memref_slice %arg3[%dma_wait3A_272, %mul3A_265] : memref<1x49152xi32, #tpu.memory_space<hbm>> -> memref<1x128xi32, #tpu.memory_space<hbm>>
          %dma_wait3A_274 = tpu.memref_slice %run_scoped3A_7[%rem3A_267] : memref<2x!tpu.dma_semaphore, #tpu.memory_space<semaphore_mem>> -> memref<1x!tpu.dma_semaphore, #tpu.memory_space<semaphore_mem>>
          %dma_wait3A_275 = tpu.memref_squeeze %dma_wait3A_274 : memref<1x!tpu.dma_semaphore, #tpu.memory_space<semaphore_mem>> -> memref<!tpu.dma_semaphore, #tpu.memory_space<semaphore_mem>>
          %dma_wait3A_276 = arith.constant 0 : i32
          %dma_wait3A_277 = arith.constant 0 : i32
          %dma_wait3A_278 = tpu.memref_slice %run_scoped3A[%rem3A_267, %dma_wait3A_276, %dma_wait3A_277] : memref<2x1x128xi32, #tpu.memory_space<vmem>> -> memref<1x1x128xi32, #tpu.memory_space<vmem>>
          %dma_wait3A_279 = tpu.memref_squeeze %dma_wait3A_278 : memref<1x1x128xi32, #tpu.memory_space<vmem>> -> memref<1x128xi32, #tpu.memory_space<vmem>>
          %dma_wait3A_280 = arith.constant 0 : i32
          %dma_wait3A_281 = tpu.memref_slice %arg3[%dma_wait3A_280, %mul3A_265] : memref<1x49152xi32, #tpu.memory_space<hbm>> -> memref<1x128xi32, #tpu.memory_space<hbm>>
          tpu.wait_dma2 semaphore(%dma_wait3A_275 : memref<!tpu.dma_semaphore, #tpu.memory_space<semaphore_mem>>) src(%dma_wait3A_281 : memref<1x128xi32, #tpu.memory_space<hbm>>) dst(%dma_wait3A_279 : memref<1x128xi32, #tpu.memory_space<vmem>>)
          "tpu.trace_stop"() : () -> ()
        } else {
        }
        %ne3A_185 = arith.cmpi ne, %add3A_131, %add3A_140 : i32
        %or3A_186 = arith.constant false
        %or3A_187 = arith.ori %or3A_186, %ne3A_185 : i1
        %or3A_188 = arith.constant false
        %or3A_189 = arith.ori %or3A_187, %or3A_188 : i1
        %or3A_190 = arith.ori %or3A_189, %eq3A_128 : i1
        %convert_element_type3A_191 = arith.extui %or3A_190 : i1 to i32
        %cond3A_192 = arith.constant 0 : i32
        %cond3A_193 = arith.cmpi ne, %convert_element_type3A_191, %cond3A_192 : i32
        scf.if %cond3A_193 {
        } else {
        }
        %rem3A_194 = arith.constant 2 : i32
        %rem3A_195 = arith.remui %scan3A_123, %rem3A_194 : i32
        %rem3A_196 = arith.constant 2 : i32
        %rem3A_197 = arith.remui %scan3A_124, %rem3A_196 : i32
        %run_scoped3A_198 = arith.constant 0 : i32
        "tpu.trace_start"() <{level = 10 : i32, message = "ep_run_kernel"}> : () -> ()
        "tpu.region"() ({
          %run_scoped3A_264 = tpu.sem_alloc : memref<!tpu.dma_semaphore, #tpu.memory_space<semaphore_mem>>
          %dma_start3A_265 = arith.constant 0 : i32
          %dma_start3A_266 = arith.constant 0 : i32
          %dma_start3A_267 = tpu.memref_slice %run_scoped3A_8[%rem3A_197, %dma_start3A_265, %dma_start3A_266] : memref<2x128x128xf32, #tpu.memory_space<vmem>> -> memref<1x128x128xf32, #tpu.memory_space<vmem>>
          %dma_start3A_268 = tpu.memref_squeeze %dma_start3A_267 : memref<1x128x128xf32, #tpu.memory_space<vmem>> -> memref<128x128xf32, #tpu.memory_space<vmem>>
          %dma_start3A_269 = arith.constant 0 : i32
          %dma_start3A_270 = arith.constant 0 : i32
          %dma_start3A_271 = tpu.memref_slice %run_scoped3A[%rem3A_195, %dma_start3A_269, %dma_start3A_270] : memref<2x1x128xi32, #tpu.memory_space<vmem>> -> memref<1x1x128xi32, #tpu.memory_space<vmem>>
          %dma_start3A_272 = tpu.memref_squeeze %dma_start3A_271 : memref<1x1x128xi32, #tpu.memory_space<vmem>> -> memref<1x128xi32, #tpu.memory_space<vmem>>
          %dma_start3A_273 = arith.constant 0 : i32
          %dma_start3A_274 = tpu.memref_slice %dma_start3A_272[%run_scoped3A_198, %dma_start3A_273] : memref<1x128xi32, #tpu.memory_space<vmem>> -> memref<1x128xi32, #tpu.memory_space<vmem>>
          %dma_start3A_275 = tpu.memref_squeeze %dma_start3A_274 : memref<1x128xi32, #tpu.memory_space<vmem>> -> memref<128xi32, #tpu.memory_space<vmem>>
          %dma_start3A_276 = arith.constant 0 : i32
          %dma_start3A_277 = arith.constant 0 : i32
          %dma_start3A_278 = tpu.memref_slice %arg2[%dma_start3A_276, %dma_start3A_277] : memref<4096x128xf32, #tpu.memory_space<hbm>> -> memref<4096x128xf32, #tpu.memory_space<hbm>>
          tpu.enqueue_indirect_dma source(%dma_start3A_278 : memref<4096x128xf32, #tpu.memory_space<hbm>>) target(%dma_start3A_268 : memref<128x128xf32, #tpu.memory_space<vmem>>) offsets(%dma_start3A_275 : memref<128xi32, #tpu.memory_space<vmem>>) semaphore(%run_scoped3A_264 : memref<!tpu.dma_semaphore, #tpu.memory_space<semaphore_mem>>)
          %dma_wait3A_279 = arith.constant 0 : i32
          %dma_wait3A_280 = arith.constant 0 : i32
          %dma_wait3A_281 = tpu.memref_slice %run_scoped3A_8[%rem3A_197, %dma_wait3A_279, %dma_wait3A_280] : memref<2x128x128xf32, #tpu.memory_space<vmem>> -> memref<1x128x128xf32, #tpu.memory_space<vmem>>
          %dma_wait3A_282 = tpu.memref_squeeze %dma_wait3A_281 : memref<1x128x128xf32, #tpu.memory_space<vmem>> -> memref<128x128xf32, #tpu.memory_space<vmem>>
          %dma_wait3A_283 = arith.constant 0 : i32
          %dma_wait3A_284 = arith.constant 0 : i32
          %dma_wait3A_285 = tpu.memref_slice %run_scoped3A[%rem3A_195, %dma_wait3A_283, %dma_wait3A_284] : memref<2x1x128xi32, #tpu.memory_space<vmem>> -> memref<1x1x128xi32, #tpu.memory_space<vmem>>
          %dma_wait3A_286 = tpu.memref_squeeze %dma_wait3A_285 : memref<1x1x128xi32, #tpu.memory_space<vmem>> -> memref<1x128xi32, #tpu.memory_space<vmem>>
          %dma_wait3A_287 = arith.constant 0 : i32
          %dma_wait3A_288 = tpu.memref_slice %dma_wait3A_286[%run_scoped3A_198, %dma_wait3A_287] : memref<1x128xi32, #tpu.memory_space<vmem>> -> memref<1x128xi32, #tpu.memory_space<vmem>>
          %dma_wait3A_289 = tpu.memref_squeeze %dma_wait3A_288 : memref<1x128xi32, #tpu.memory_space<vmem>> -> memref<128xi32, #tpu.memory_space<vmem>>
          %dma_wait3A_290 = arith.constant 0 : i32
          %dma_wait3A_291 = arith.constant 0 : i32
          %dma_wait3A_292 = tpu.memref_slice %arg2[%dma_wait3A_290, %dma_wait3A_291] : memref<4096x128xf32, #tpu.memory_space<hbm>> -> memref<4096x128xf32, #tpu.memory_space<hbm>>
          tpu.wait_indirect_dma semaphore(%run_scoped3A_264 : memref<!tpu.dma_semaphore, #tpu.memory_space<semaphore_mem>>) src(%dma_wait3A_292 : memref<4096x128xf32, #tpu.memory_space<hbm>>) dst(%dma_wait3A_282 : memref<128x128xf32, #tpu.memory_space<vmem>>)
          tpu.yield
        }) : () -> ()
        "tpu.trace_stop"() : () -> ()
        %ne3A_199 = arith.cmpi ne, %add3A_131, %add3A_149 : i32
        %or3A_200 = arith.constant false
        %or3A_201 = arith.ori %or3A_200, %ne3A_199 : i1
        %or3A_202 = arith.ori %or3A_201, %eq3A_130 : i1
        %convert_element_type3A_203 = arith.extui %or3A_202 : i1 to i32
        %cond3A_204 = arith.constant 0 : i32
        %cond3A_205 = arith.cmpi ne, %convert_element_type3A_203, %cond3A_204 : i32
        scf.if %cond3A_205 {
        } else {
        }
        %and3A_206 = arith.constant false
        %and3A_207 = arith.andi %or3A_202, %and3A_206 : i1
        %ne3A_208 = arith.cmpi ne, %add3A_131, %add3A_149 : i32
        %or3A_209 = arith.constant false
        %or3A_210 = arith.ori %or3A_209, %ne3A_208 : i1
        %or3A_211 = arith.constant false
        %or3A_212 = arith.ori %or3A_210, %or3A_211 : i1
        %or3A_213 = arith.ori %or3A_212, %eq3A_130 : i1
        %convert_element_type3A_214 = arith.extui %or3A_213 : i1 to i32
        %cond3A_215 = arith.constant 0 : i32
        %cond3A_216 = arith.cmpi ne, %convert_element_type3A_214, %cond3A_215 : i32
        scf.if %cond3A_216 {
          "tpu.trace_start"() <{level = 10 : i32, message = "ep_copy_out"}> : () -> ()
          %rem3A_264 = arith.constant 2 : i32
          %rem3A_265 = arith.remui %scan3A_124, %rem3A_264 : i32
          %mul3A_266 = arith.constant 128 : i32
          %mul3A_267 = arith.muli %mul3A_266, %add3A_131 : i32
          %dma_start3A_268 = arith.constant 0 : i32
          %dma_start3A_269 = arith.constant 0 : i32
          %dma_start3A_270 = tpu.memref_slice %run_scoped3A_8[%rem3A_265, %dma_start3A_268, %dma_start3A_269] : memref<2x128x128xf32, #tpu.memory_space<vmem>> -> memref<1x128x128xf32, #tpu.memory_space<vmem>>
          %dma_start3A_271 = tpu.memref_squeeze %dma_start3A_270 : memref<1x128x128xf32, #tpu.memory_space<vmem>> -> memref<128x128xf32, #tpu.memory_space<vmem>>
          %dma_start3A_272 = arith.constant 0 : i32
          %dma_start3A_273 = tpu.memref_slice %arg4[%mul3A_267, %dma_start3A_272] : memref<49152x128xf32, #tpu.memory_space<hbm>> -> memref<128x128xf32, #tpu.memory_space<hbm>>
          %dma_start3A_274 = tpu.memref_slice %run_scoped3A_9[%rem3A_265] : memref<2x!tpu.dma_semaphore, #tpu.memory_space<semaphore_mem>> -> memref<1x!tpu.dma_semaphore, #tpu.memory_space<semaphore_mem>>
          %dma_start3A_275 = tpu.memref_squeeze %dma_start3A_274 : memref<1x!tpu.dma_semaphore, #tpu.memory_space<semaphore_mem>> -> memref<!tpu.dma_semaphore, #tpu.memory_space<semaphore_mem>>
          %dma_start3A_276 = arith.constant 0 : i32
          %dma_start3A_277 = tpu.memref_slice %arg4[%mul3A_267, %dma_start3A_276] : memref<49152x128xf32, #tpu.memory_space<hbm>> -> memref<128x128xf32, #tpu.memory_space<hbm>>
          %dma_start3A_278 = arith.constant 0 : i32
          %dma_start3A_279 = arith.constant 0 : i32
          %dma_start3A_280 = tpu.memref_slice %run_scoped3A_8[%rem3A_265, %dma_start3A_278, %dma_start3A_279] : memref<2x128x128xf32, #tpu.memory_space<vmem>> -> memref<1x128x128xf32, #tpu.memory_space<vmem>>
          %dma_start3A_281 = tpu.memref_squeeze %dma_start3A_280 : memref<1x128x128xf32, #tpu.memory_space<vmem>> -> memref<128x128xf32, #tpu.memory_space<vmem>>
          tpu.enqueue_dma source(%dma_start3A_281 : memref<128x128xf32, #tpu.memory_space<vmem>>) target(%dma_start3A_277 : memref<128x128xf32, #tpu.memory_space<hbm>>) target_semaphore(%dma_start3A_275 : memref<!tpu.dma_semaphore, #tpu.memory_space<semaphore_mem>>)
          "tpu.trace_stop"() : () -> ()
        } else {
        }
        %and3A_217 = arith.constant true
        %and3A_218 = arith.andi %or3A_213, %and3A_217 : i1
        %add3A_219 = arith.constant 1 : i32
        %add3A_220 = arith.addi %scan3A_124, %add3A_219 : i32
        %select_n3A_221 = arith.select %and3A_218, %add3A_220, %scan3A_124 : i32
        %ne3A_222 = arith.cmpi ne, %add3A_131, %add3A_140 : i32
        %or3A_223 = arith.constant false
        %or3A_224 = arith.ori %or3A_223, %ne3A_222 : i1
        %not3A_225 = arith.constant true
        %not3A_226 = arith.xori %eq3A_128, %not3A_225 : i1
        %and3A_227 = arith.andi %or3A_224, %not3A_226 : i1
        %convert_element_type3A_228 = arith.extui %and3A_227 : i1 to i32
        %cond3A_229 = arith.constant 0 : i32
        %cond3A_230 = arith.cmpi ne, %convert_element_type3A_228, %cond3A_229 : i32
        scf.if %cond3A_230 {
        } else {
        }
        %and3A_231 = arith.constant false
        %and3A_232 = arith.andi %and3A_227, %and3A_231 : i1
        %ne3A_233 = arith.cmpi ne, %add3A_131, %add3A_140 : i32
        %or3A_234 = arith.constant false
        %or3A_235 = arith.ori %or3A_234, %ne3A_233 : i1
        %or3A_236 = arith.constant false
        %or3A_237 = arith.ori %or3A_235, %or3A_236 : i1
        %not3A_238 = arith.constant true
        %not3A_239 = arith.xori %eq3A_128, %not3A_238 : i1
        %and3A_240 = arith.andi %or3A_237, %not3A_239 : i1
        %convert_element_type3A_241 = arith.extui %and3A_240 : i1 to i32
        %cond3A_242 = arith.constant 0 : i32
        %cond3A_243 = arith.cmpi ne, %convert_element_type3A_241, %cond3A_242 : i32
        scf.if %cond3A_243 {
          "tpu.trace_start"() <{level = 10 : i32, message = "ep_wait_out"}> : () -> ()
          %rem3A_264 = arith.constant 2 : i32
          %rem3A_265 = arith.remui %scan3A_125, %rem3A_264 : i32
          %mul3A_266 = arith.constant 128 : i32
          %mul3A_267 = arith.muli %mul3A_266, %add3A_140 : i32
          %dma_wait3A_268 = arith.constant 0 : i32
          %dma_wait3A_269 = arith.constant 0 : i32
          %dma_wait3A_270 = tpu.memref_slice %run_scoped3A_8[%rem3A_265, %dma_wait3A_268, %dma_wait3A_269] : memref<2x128x128xf32, #tpu.memory_space<vmem>> -> memref<1x128x128xf32, #tpu.memory_space<vmem>>
          %dma_wait3A_271 = tpu.memref_squeeze %dma_wait3A_270 : memref<1x128x128xf32, #tpu.memory_space<vmem>> -> memref<128x128xf32, #tpu.memory_space<vmem>>
          %dma_wait3A_272 = arith.constant 0 : i32
          %dma_wait3A_273 = tpu.memref_slice %arg4[%mul3A_267, %dma_wait3A_272] : memref<49152x128xf32, #tpu.memory_space<hbm>> -> memref<128x128xf32, #tpu.memory_space<hbm>>
          %dma_wait3A_274 = tpu.memref_slice %run_scoped3A_9[%rem3A_265] : memref<2x!tpu.dma_semaphore, #tpu.memory_space<semaphore_mem>> -> memref<1x!tpu.dma_semaphore, #tpu.memory_space<semaphore_mem>>
          %dma_wait3A_275 = tpu.memref_squeeze %dma_wait3A_274 : memref<1x!tpu.dma_semaphore, #tpu.memory_space<semaphore_mem>> -> memref<!tpu.dma_semaphore, #tpu.memory_space<semaphore_mem>>
          %dma_wait3A_276 = arith.constant 0 : i32
          %dma_wait3A_277 = tpu.memref_slice %arg4[%mul3A_267, %dma_wait3A_276] : memref<49152x128xf32, #tpu.memory_space<hbm>> -> memref<128x128xf32, #tpu.memory_space<hbm>>
          %dma_wait3A_278 = arith.constant 0 : i32
          %dma_wait3A_279 = arith.constant 0 : i32
          %dma_wait3A_280 = tpu.memref_slice %run_scoped3A_8[%rem3A_265, %dma_wait3A_278, %dma_wait3A_279] : memref<2x128x128xf32, #tpu.memory_space<vmem>> -> memref<1x128x128xf32, #tpu.memory_space<vmem>>
          %dma_wait3A_281 = tpu.memref_squeeze %dma_wait3A_280 : memref<1x128x128xf32, #tpu.memory_space<vmem>> -> memref<128x128xf32, #tpu.memory_space<vmem>>
          tpu.wait_dma2 semaphore(%dma_wait3A_275 : memref<!tpu.dma_semaphore, #tpu.memory_space<semaphore_mem>>) src(%dma_wait3A_281 : memref<128x128xf32, #tpu.memory_space<vmem>>) dst(%dma_wait3A_277 : memref<128x128xf32, #tpu.memory_space<hbm>>)
          "tpu.trace_stop"() : () -> ()
        } else {
        }
        %and3A_244 = arith.constant true
        %and3A_245 = arith.andi %and3A_240, %and3A_244 : i1
        %add3A_246 = arith.constant 1 : i32
        %add3A_247 = arith.addi %scan3A_125, %add3A_246 : i32
        %select_n3A_248 = arith.select %and3A_245, %add3A_247, %scan3A_125 : i32
        %ne3A_249 = arith.cmpi ne, %add3A_131, %add3A_149 : i32
        %or3A_250 = arith.constant false
        %or3A_251 = arith.ori %or3A_250, %ne3A_249 : i1
        %or3A_252 = arith.ori %or3A_251, %eq3A_130 : i1
        %add3A_253 = arith.constant 1 : i32
        %add3A_254 = arith.addi %scan3A_123, %add3A_253 : i32
        %select_n3A_255 = arith.select %or3A_252, %add3A_254, %scan3A_123 : i32
        %add3A_256 = arith.constant 1 : i32
        %add3A_257 = arith.addi %scan3A_126, %add3A_256 : i32
        %select_n3A_258 = arith.constant true
        %select_n3A_259 = arith.select %select_n3A_258, %add3A_257, %scan3A_126 : i32
        %eq3A_260 = arith.constant 12 : i32
        %eq3A_261 = arith.cmpi eq, %select_n3A_259, %eq3A_260 : i32
        %select_n3A_262 = arith.constant 0 : i32
        %select_n3A_263 = arith.select %eq3A_261, %select_n3A_262, %select_n3A_259 : i32
        scf.yield %select_n3A_167, %select_n3A_255, %select_n3A_221, %select_n3A_248, %select_n3A_263 : i32, i32, i32, i32, i32
      }
      %scan3A_68 = arith.constant 12 : i32
      %sub3A = arith.constant 1 : i32
      %sub3A_69 = arith.subi %scan3A_67#4, %sub3A : i32
      %select_n3A_70 = arith.constant true
      %select_n3A_71 = arith.select %select_n3A_70, %sub3A_69, %scan3A_67#4 : i32
      %eq3A_72 = arith.constant -1 : i32
      %eq3A_73 = arith.cmpi eq, %select_n3A_71, %eq3A_72 : i32
      %select_n3A_74 = arith.constant 11 : i32
      %select_n3A_75 = arith.select %eq3A_73, %select_n3A_74, %select_n3A_71 : i32
      %add3A_76 = arith.addi %select_n3A_75, %mul3A_6 : i32
      %sub3A_77 = arith.constant 1 : i32
      %sub3A_78 = arith.subi %select_n3A_75, %sub3A_77 : i32
      %select_n3A_79 = arith.constant true
      %select_n3A_80 = arith.select %select_n3A_79, %sub3A_78, %select_n3A_75 : i32
      %eq3A_81 = arith.constant -1 : i32
      %eq3A_82 = arith.cmpi eq, %select_n3A_80, %eq3A_81 : i32
      %select_n3A_83 = arith.constant 11 : i32
      %select_n3A_84 = arith.select %eq3A_82, %select_n3A_83, %select_n3A_80 : i32
      %add3A_85 = arith.addi %select_n3A_84, %mul3A_6 : i32
      %add3A_86 = arith.constant 1 : i32
      %add3A_87 = arith.addi %select_n3A_75, %add3A_86 : i32
      %select_n3A_88 = arith.constant true
      %select_n3A_89 = arith.select %select_n3A_88, %add3A_87, %select_n3A_75 : i32
      %eq3A_90 = arith.constant 12 : i32
      %eq3A_91 = arith.cmpi eq, %select_n3A_89, %eq3A_90 : i32
      %select_n3A_92 = arith.constant 0 : i32
      %select_n3A_93 = arith.select %eq3A_91, %select_n3A_92, %select_n3A_89 : i32
      %add3A_94 = arith.addi %select_n3A_93, %mul3A_6 : i32
      %add3A_95 = arith.constant 1 : i32
      %add3A_96 = arith.addi %select_n3A_93, %add3A_95 : i32
      %select_n3A_97 = arith.constant true
      %select_n3A_98 = arith.select %select_n3A_97, %add3A_96, %select_n3A_93 : i32
      %eq3A_99 = arith.constant 12 : i32
      %eq3A_100 = arith.cmpi eq, %select_n3A_98, %eq3A_99 : i32
      %select_n3A_101 = arith.constant 0 : i32
      %select_n3A_102 = arith.select %eq3A_100, %select_n3A_101, %select_n3A_98 : i32
      %add3A_103 = arith.addi %select_n3A_102, %mul3A_6 : i32
      "tpu.trace_start"() <{level = 10 : i32, message = "ep_finalize"}> : () -> ()
      %rem3A_104 = arith.constant 2 : i32
      %rem3A_105 = arith.remui %scan3A_67#3, %rem3A_104 : i32
      %mul3A_106 = arith.constant 128 : i32
      %mul3A_107 = arith.muli %mul3A_106, %add3A_76 : i32
      %dma_wait3A = arith.constant 0 : i32
      %dma_wait3A_108 = arith.constant 0 : i32
      %dma_wait3A_109 = tpu.memref_slice %run_scoped3A_8[%rem3A_105, %dma_wait3A, %dma_wait3A_108] : memref<2x128x128xf32, #tpu.memory_space<vmem>> -> memref<1x128x128xf32, #tpu.memory_space<vmem>>
      %dma_wait3A_110 = tpu.memref_squeeze %dma_wait3A_109 : memref<1x128x128xf32, #tpu.memory_space<vmem>> -> memref<128x128xf32, #tpu.memory_space<vmem>>
      %dma_wait3A_111 = arith.constant 0 : i32
      %dma_wait3A_112 = tpu.memref_slice %arg4[%mul3A_107, %dma_wait3A_111] : memref<49152x128xf32, #tpu.memory_space<hbm>> -> memref<128x128xf32, #tpu.memory_space<hbm>>
      %dma_wait3A_113 = tpu.memref_slice %run_scoped3A_9[%rem3A_105] : memref<2x!tpu.dma_semaphore, #tpu.memory_space<semaphore_mem>> -> memref<1x!tpu.dma_semaphore, #tpu.memory_space<semaphore_mem>>
      %dma_wait3A_114 = tpu.memref_squeeze %dma_wait3A_113 : memref<1x!tpu.dma_semaphore, #tpu.memory_space<semaphore_mem>> -> memref<!tpu.dma_semaphore, #tpu.memory_space<semaphore_mem>>
      %dma_wait3A_115 = arith.constant 0 : i32
      %dma_wait3A_116 = tpu.memref_slice %arg4[%mul3A_107, %dma_wait3A_115] : memref<49152x128xf32, #tpu.memory_space<hbm>> -> memref<128x128xf32, #tpu.memory_space<hbm>>
      %dma_wait3A_117 = arith.constant 0 : i32
      %dma_wait3A_118 = arith.constant 0 : i32
      %dma_wait3A_119 = tpu.memref_slice %run_scoped3A_8[%rem3A_105, %dma_wait3A_117, %dma_wait3A_118] : memref<2x128x128xf32, #tpu.memory_space<vmem>> -> memref<1x128x128xf32, #tpu.memory_space<vmem>>
      %dma_wait3A_120 = tpu.memref_squeeze %dma_wait3A_119 : memref<1x128x128xf32, #tpu.memory_space<vmem>> -> memref<128x128xf32, #tpu.memory_space<vmem>>
      tpu.wait_dma2 semaphore(%dma_wait3A_114 : memref<!tpu.dma_semaphore, #tpu.memory_space<semaphore_mem>>) src(%dma_wait3A_120 : memref<128x128xf32, #tpu.memory_space<vmem>>) dst(%dma_wait3A_116 : memref<128x128xf32, #tpu.memory_space<hbm>>)
      "tpu.trace_stop"() : () -> ()
      tpu.yield
    }) : () -> ()
    return
  }
}

module attributes {stable_mosaic.version = 14 : i64} {
  func.func @_top3_body(%arg0: i32, %arg1: i32, %arg2: memref<1x3x1024xf32, #tpu.memory_space<vmem>>, %arg3: memref<1x1024x256xf32, #tpu.memory_space<vmem>>, %arg4: memref<1x3x512xf32, #tpu.memory_space<vmem>>, %arg5: memref<256x128xf32, #tpu.memory_space<vmem>>, %arg6: memref<1x128xf32, #tpu.memory_space<vmem>>, %arg7: memref<1x128xf32, #tpu.memory_space<vmem>>, %arg8: memref<1x1024x128xf32, #tpu.memory_space<vmem>>, %arg9: memref<1x8x512xf32, #tpu.memory_space<vmem>>, %arg10: memref<1x512x8xf32, #tpu.memory_space<vmem>>, %arg11: memref<1x512x128xf32, #tpu.memory_space<vmem>>, %arg12: memref<8x1024xf32, #tpu.memory_space<vmem>>) attributes {dimension_semantics = [#tpu.dimension_semantics<arbitrary>, #tpu.dimension_semantics<arbitrary>], iteration_bounds = array<i64: 4, 8>, scalar_prefetch = 0 : i64, scratch_operands = 1 : i64, tpu.core_type = #tpu.core_type<tc>, window_params = [{transform_indices = @transform_0, window_bounds = array<i64: 1, 3, 1024>}, {transform_indices = @transform_1, window_bounds = array<i64: 1, 1024, 256>}, {transform_indices = @transform_2, window_bounds = array<i64: 1, 3, 512>}, {pipeline_mode = #tpu.pipeline_mode<synchronous>, transform_indices = @transform_3, window_bounds = array<i64: 256, 128>}, {pipeline_mode = #tpu.pipeline_mode<synchronous>, transform_indices = @transform_4, window_bounds = array<i64: 1, 128>}, {pipeline_mode = #tpu.pipeline_mode<synchronous>, transform_indices = @transform_5, window_bounds = array<i64: 1, 128>}, {transform_indices = @transform_6, window_bounds = array<i64: 1, 1024, 128>}, {transform_indices = @transform_7, window_bounds = array<i64: 1, 8, 512>}, {transform_indices = @transform_8, window_bounds = array<i64: 1, 512, 8>}, {transform_indices = @transform_9, window_bounds = array<i64: 1, 512, 128>}]} {
    %get3A = arith.constant 0 : index
    %get3A_0 = arith.constant 0 : index
    %get3A_1 = arith.constant 0 : index
    %get3A_2 = vector.load %arg2[%get3A, %get3A_0, %get3A_1] : memref<1x3x1024xf32, #tpu.memory_space<vmem>>, vector<1x3x1024xf32>
    %get3A_3 = vector.shape_cast %get3A_2 : vector<1x3x1024xf32> to vector<3x1024xf32>
    %eq3A = arith.constant 0 : i32
    %eq3A_4 = arith.cmpi eq, %arg1, %eq3A : i32
    %convert_element_type3A = arith.extui %eq3A_4 : i1 to i32
    %cond3A = arith.constant 0 : i32
    %cond3A_5 = arith.cmpi ne, %convert_element_type3A, %cond3A : i32
    scf.if %cond3A_5 {
      %get3A_127 = arith.constant 0 : index
      %get3A_128 = arith.constant 0 : index
      %get3A_129 = arith.constant 0 : index
      %get3A_130 = vector.load %arg3[%get3A_127, %get3A_128, %get3A_129] : memref<1x1024x256xf32, #tpu.memory_space<vmem>>, vector<1x1024x256xf32>
      %get3A_131 = vector.shape_cast %get3A_130 : vector<1x1024x256xf32> to vector<1024x256xf32>
      %get3A_132 = arith.constant 0 : index
      %get3A_133 = arith.constant 0 : index
      %get3A_134 = vector.load %arg5[%get3A_132, %get3A_133] : memref<256x128xf32, #tpu.memory_space<vmem>>, vector<256x128xf32>
      %dot_general3A_135 = arith.constant dense<0.000000e+00> : vector<1024x128xf32>
      %dot_general3A_136 = tpu.matmul %get3A_131, %get3A_134, %dot_general3A_135 {dimension_numbers = #tpu.dot_dimension_numbers<[1], [0], [0], [1], [0, 0, 1, 1], [], []>, transpose_lhs_hint = false} : vector<1024x256xf32>, vector<256x128xf32>, vector<1024x128xf32> -> vector<1024x128xf32>
      %get3A_137 = arith.constant 0 : index
      %get3A_138 = arith.constant 0 : index
      %get3A_139 = vector.load %arg6[%get3A_137, %get3A_138] : memref<1x128xf32, #tpu.memory_space<vmem>>, vector<1x128xf32>
      %get3A_140 = vector.shape_cast %get3A_139 : vector<1x128xf32> to vector<128xf32>
      %broadcast_in_dim3A_141 = vector.shape_cast %get3A_140 : vector<128xf32> to vector<1x128xf32>
      %mul3A_142 = vector.broadcast %broadcast_in_dim3A_141 : vector<1x128xf32> to vector<1024x128xf32>
      %mul3A_143 = arith.mulf %dot_general3A_136, %mul3A_142 : vector<1024x128xf32>
      %get3A_144 = arith.constant 0 : index
      %get3A_145 = arith.constant 0 : index
      %get3A_146 = vector.load %arg7[%get3A_144, %get3A_145] : memref<1x128xf32, #tpu.memory_space<vmem>>, vector<1x128xf32>
      %get3A_147 = vector.shape_cast %get3A_146 : vector<1x128xf32> to vector<128xf32>
      %broadcast_in_dim3A_148 = vector.shape_cast %get3A_147 : vector<128xf32> to vector<1x128xf32>
      %add3A_149 = vector.broadcast %broadcast_in_dim3A_148 : vector<1x128xf32> to vector<1024x128xf32>
      %add3A_150 = arith.addf %mul3A_143, %add3A_149 : vector<1024x128xf32>
      %max3A = arith.constant 0.000000e+00 : f32
      %max3A_151 = vector.broadcast %max3A : f32 to vector<1024x128xf32>
      %max3A_152 = arith.maximumf %add3A_150, %max3A_151 : vector<1024x128xf32>
      %swap3A_153 = arith.constant 0 : index
      %swap3A_154 = arith.constant 0 : index
      %swap3A_155 = arith.constant 0 : index
      %swap3A_156 = vector.load %arg8[%swap3A_153, %swap3A_154, %swap3A_155] : memref<1x1024x128xf32, #tpu.memory_space<vmem>>, vector<1x1024x128xf32>
      %swap3A_157 = vector.shape_cast %swap3A_156 : vector<1x1024x128xf32> to vector<1024x128xf32>
      %swap3A_158 = vector.shape_cast %max3A_152 : vector<1024x128xf32> to vector<1x1024x128xf32>
      tpu.vector_store %arg8[%swap3A_153, %swap3A_154, %swap3A_155], %swap3A_158 {strides = array<i32>} : memref<1x1024x128xf32, #tpu.memory_space<vmem>>, vector<1x1024x128xf32>,
      %slice3A_159 = vector.extract_strided_slice %get3A_3 {offsets = [0, 0], sizes = [1, 1024], strides = [1, 1]} : vector<3x1024xf32> to vector<1x1024xf32>
      %slice3A_160 = vector.extract_strided_slice %get3A_3 {offsets = [0, 0], sizes = [1, 1024], strides = [1, 1]} : vector<3x1024xf32> to vector<1x1024xf32>
      %mul3A_161 = arith.mulf %slice3A_159, %slice3A_160 : vector<1x1024xf32>
      %slice3A_162 = vector.extract_strided_slice %get3A_3 {offsets = [1, 0], sizes = [1, 1024], strides = [1, 1]} : vector<3x1024xf32> to vector<1x1024xf32>
      %slice3A_163 = vector.extract_strided_slice %get3A_3 {offsets = [1, 0], sizes = [1, 1024], strides = [1, 1]} : vector<3x1024xf32> to vector<1x1024xf32>
      %mul3A_164 = arith.mulf %slice3A_162, %slice3A_163 : vector<1x1024xf32>
      %add3A_165 = arith.addf %mul3A_161, %mul3A_164 : vector<1x1024xf32>
      %slice3A_166 = vector.extract_strided_slice %get3A_3 {offsets = [2, 0], sizes = [1, 1024], strides = [1, 1]} : vector<3x1024xf32> to vector<1x1024xf32>
      %slice3A_167 = vector.extract_strided_slice %get3A_3 {offsets = [2, 0], sizes = [1, 1024], strides = [1, 1]} : vector<3x1024xf32> to vector<1x1024xf32>
      %mul3A_168 = arith.mulf %slice3A_166, %slice3A_167 : vector<1x1024xf32>
      %add3A_169 = arith.addf %add3A_165, %mul3A_168 : vector<1x1024xf32>
      %swap3A_170 = arith.constant 0 : index
      %swap3A_171 = arith.constant 0 : index
      %swap3A_172 = vector.load %arg12[%swap3A_170, %swap3A_171] : memref<8x1024xf32, #tpu.memory_space<vmem>>, vector<1x1024xf32>
      tpu.vector_store %arg12[%swap3A_170, %swap3A_171], %add3A_169 {strides = array<i32>} : memref<8x1024xf32, #tpu.memory_space<vmem>>, vector<1x1024xf32>,
    } else {
    }
    %eq3A_6 = arith.constant 0 : i32
    %eq3A_7 = arith.cmpi eq, %arg0, %eq3A_6 : i32
    %eq3A_8 = arith.constant 0 : i32
    %eq3A_9 = arith.cmpi eq, %arg1, %eq3A_8 : i32
    %and3A = arith.andi %eq3A_7, %eq3A_9 : i1
    %convert_element_type3A_10 = arith.extui %and3A : i1 to i32
    %cond3A_11 = arith.constant 0 : i32
    %cond3A_12 = arith.cmpi ne, %convert_element_type3A_10, %cond3A_11 : i32
    scf.if %cond3A_12 {
      %broadcast_in_dim3A_127 = arith.constant 0.000000e+00 : f32
      %broadcast_in_dim3A_128 = vector.broadcast %broadcast_in_dim3A_127 : f32 to vector<512x128xf32>
      %swap3A_129 = arith.constant 0 : index
      %swap3A_130 = arith.constant 0 : index
      %swap3A_131 = arith.constant 0 : index
      %swap3A_132 = vector.load %arg11[%swap3A_129, %swap3A_130, %swap3A_131] : memref<1x512x128xf32, #tpu.memory_space<vmem>>, vector<1x512x128xf32>
      %swap3A_133 = vector.shape_cast %swap3A_132 : vector<1x512x128xf32> to vector<512x128xf32>
      %swap3A_134 = vector.shape_cast %broadcast_in_dim3A_128 : vector<512x128xf32> to vector<1x512x128xf32>
      tpu.vector_store %arg11[%swap3A_129, %swap3A_130, %swap3A_131], %swap3A_134 {strides = array<i32>} : memref<1x512x128xf32, #tpu.memory_space<vmem>>, vector<1x512x128xf32>,
    } else {
    }
    %get3A_13 = arith.constant 0 : index
    %get3A_14 = arith.constant 0 : index
    %get3A_15 = vector.load %arg12[%get3A_13, %get3A_14] : memref<8x1024xf32, #tpu.memory_space<vmem>>, vector<1x1024xf32>
    %get3A_16 = arith.constant 0 : index
    %get3A_17 = arith.constant 0 : index
    %get3A_18 = arith.constant 0 : index
    %get3A_19 = vector.load %arg4[%get3A_16, %get3A_17, %get3A_18] : memref<1x3x512xf32, #tpu.memory_space<vmem>>, vector<1x3x512xf32>
    %get3A_20 = vector.shape_cast %get3A_19 : vector<1x3x512xf32> to vector<3x512xf32>
    %slice3A = vector.extract_strided_slice %get3A_20 {offsets = [0, 0], sizes = [1, 512], strides = [1, 1]} : vector<3x512xf32> to vector<1x512xf32>
    %slice3A_21 = vector.extract_strided_slice %get3A_20 {offsets = [0, 0], sizes = [1, 512], strides = [1, 1]} : vector<3x512xf32> to vector<1x512xf32>
    %mul3A = arith.mulf %slice3A, %slice3A_21 : vector<1x512xf32>
    %slice3A_22 = vector.extract_strided_slice %get3A_20 {offsets = [1, 0], sizes = [1, 512], strides = [1, 1]} : vector<3x512xf32> to vector<1x512xf32>
    %slice3A_23 = vector.extract_strided_slice %get3A_20 {offsets = [1, 0], sizes = [1, 512], strides = [1, 1]} : vector<3x512xf32> to vector<1x512xf32>
    %mul3A_24 = arith.mulf %slice3A_22, %slice3A_23 : vector<1x512xf32>
    %add3A = arith.addf %mul3A, %mul3A_24 : vector<1x512xf32>
    %slice3A_25 = vector.extract_strided_slice %get3A_20 {offsets = [2, 0], sizes = [1, 512], strides = [1, 1]} : vector<3x512xf32> to vector<1x512xf32>
    %slice3A_26 = vector.extract_strided_slice %get3A_20 {offsets = [2, 0], sizes = [1, 512], strides = [1, 1]} : vector<3x512xf32> to vector<1x512xf32>
    %mul3A_27 = arith.mulf %slice3A_25, %slice3A_26 : vector<1x512xf32>
    %add3A_28 = arith.addf %add3A, %mul3A_27 : vector<1x512xf32>
    %transpose3A = tpu.transpose %add3A_28, [1, 0] : vector<1x512xf32> -> vector<512x1xf32>
    %mul3A_29 = arith.constant -2.000000e+00 : f32
    %mul3A_30 = vector.broadcast %mul3A_29 : f32 to vector<3x512xf32>
    %mul3A_31 = arith.mulf %mul3A_30, %get3A_20 : vector<3x512xf32>
    %dot_general3A = arith.constant dense<0.000000e+00> : vector<512x1024xf32>
    %dot_general3A_32 = tpu.matmul %mul3A_31, %get3A_3, %dot_general3A {dimension_numbers = #tpu.dot_dimension_numbers<[0], [0], [1], [1], [0, 1, 1, 1], [], []>, transpose_lhs_hint = false} : vector<3x512xf32>, vector<3x1024xf32>, vector<512x1024xf32> -> vector<512x1024xf32>
    %add3A_33 = vector.broadcast %transpose3A : vector<512x1xf32> to vector<512x1024xf32>
    %add3A_34 = arith.addf %dot_general3A_32, %add3A_33 : vector<512x1024xf32>
    %add3A_35 = vector.broadcast %get3A_15 : vector<1x1024xf32> to vector<512x1024xf32>
    %add3A_36 = arith.addf %add3A_34, %add3A_35 : vector<512x1024xf32>
    %iota3A = tpu.iota {dimensions = array<i32: 1>} : vector<512x1024xi32>
    %convert_element_type3A_37 = arith.sitofp %iota3A : vector<512x1024xi32> to vector<512x1024xf32>
    %reduce_min3A = arith.constant dense<0x7F800000> : vector<512xf32>
    %reduce_min3A_38 = vector.multi_reduction <minimumf>, %add3A_36, %reduce_min3A [1] : vector<512x1024xf32> to vector<512xf32>
    %broadcast_in_dim3A = vector.shape_cast %reduce_min3A_38 : vector<512xf32> to vector<512x1xf32>
    %eq3A_39 = vector.broadcast %broadcast_in_dim3A : vector<512x1xf32> to vector<512x1024xf32>
    %eq3A_40 = arith.cmpf oeq, %add3A_36, %eq3A_39 : vector<512x1024xf32>
    %jit3A = arith.constant 1.07374182E+9 : f32
    %broadcast_in_dim3A_41 = vector.broadcast %jit3A : f32 to vector<512x1024xf32>
    %select_n3A = arith.select %eq3A_40, %convert_element_type3A_37, %broadcast_in_dim3A_41 : vector<512x1024xi1>, vector<512x1024xf32>
    %reduce_min3A_42 = arith.constant dense<0x7F800000> : vector<512xf32>
    %reduce_min3A_43 = vector.multi_reduction <minimumf>, %select_n3A, %reduce_min3A_42 [1] : vector<512x1024xf32> to vector<512xf32>
    %broadcast_in_dim3A_44 = vector.shape_cast %reduce_min3A_43 : vector<512xf32> to vector<512x1xf32>
    %eq3A_45 = vector.broadcast %broadcast_in_dim3A_44 : vector<512x1xf32> to vector<512x1024xf32>
    %eq3A_46 = arith.cmpf oeq, %convert_element_type3A_37, %eq3A_45 : vector<512x1024xf32>
    %jit3A_47 = arith.constant 1.000000e+30 : f32
    %broadcast_in_dim3A_48 = vector.broadcast %jit3A_47 : f32 to vector<512x1024xf32>
    %select_n3A_49 = arith.select %eq3A_46, %broadcast_in_dim3A_48, %add3A_36 : vector<512x1024xi1>, vector<512x1024xf32>
    %reduce_min3A_50 = arith.constant dense<0x7F800000> : vector<512xf32>
    %reduce_min3A_51 = vector.multi_reduction <minimumf>, %select_n3A_49, %reduce_min3A_50 [1] : vector<512x1024xf32> to vector<512xf32>
    %broadcast_in_dim3A_52 = vector.shape_cast %reduce_min3A_51 : vector<512xf32> to vector<512x1xf32>
    %eq3A_53 = vector.broadcast %broadcast_in_dim3A_52 : vector<512x1xf32> to vector<512x1024xf32>
    %eq3A_54 = arith.cmpf oeq, %select_n3A_49, %eq3A_53 : vector<512x1024xf32>
    %jit3A_55 = arith.constant 1.07374182E+9 : f32
    %broadcast_in_dim3A_56 = vector.broadcast %jit3A_55 : f32 to vector<512x1024xf32>
    %select_n3A_57 = arith.select %eq3A_54, %convert_element_type3A_37, %broadcast_in_dim3A_56 : vector<512x1024xi1>, vector<512x1024xf32>
    %reduce_min3A_58 = arith.constant dense<0x7F800000> : vector<512xf32>
    %reduce_min3A_59 = vector.multi_reduction <minimumf>, %select_n3A_57, %reduce_min3A_58 [1] : vector<512x1024xf32> to vector<512xf32>
    %broadcast_in_dim3A_60 = vector.shape_cast %reduce_min3A_59 : vector<512xf32> to vector<512x1xf32>
    %eq3A_61 = vector.broadcast %broadcast_in_dim3A_60 : vector<512x1xf32> to vector<512x1024xf32>
    %eq3A_62 = arith.cmpf oeq, %convert_element_type3A_37, %eq3A_61 : vector<512x1024xf32>
    %jit3A_63 = arith.constant 1.000000e+30 : f32
    %broadcast_in_dim3A_64 = vector.broadcast %jit3A_63 : f32 to vector<512x1024xf32>
    %select_n3A_65 = arith.select %eq3A_62, %broadcast_in_dim3A_64, %select_n3A_49 : vector<512x1024xi1>, vector<512x1024xf32>
    %reduce_min3A_66 = arith.constant dense<0x7F800000> : vector<512xf32>
    %reduce_min3A_67 = vector.multi_reduction <minimumf>, %select_n3A_65, %reduce_min3A_66 [1] : vector<512x1024xf32> to vector<512xf32>
    %broadcast_in_dim3A_68 = vector.shape_cast %reduce_min3A_67 : vector<512xf32> to vector<512x1xf32>
    %eq3A_69 = vector.broadcast %broadcast_in_dim3A_68 : vector<512x1xf32> to vector<512x1024xf32>
    %eq3A_70 = arith.cmpf oeq, %select_n3A_65, %eq3A_69 : vector<512x1024xf32>
    %jit3A_71 = arith.constant 1.07374182E+9 : f32
    %broadcast_in_dim3A_72 = vector.broadcast %jit3A_71 : f32 to vector<512x1024xf32>
    %select_n3A_73 = arith.select %eq3A_70, %convert_element_type3A_37, %broadcast_in_dim3A_72 : vector<512x1024xi1>, vector<512x1024xf32>
    %reduce_min3A_74 = arith.constant dense<0x7F800000> : vector<512xf32>
    %reduce_min3A_75 = vector.multi_reduction <minimumf>, %select_n3A_73, %reduce_min3A_74 [1] : vector<512x1024xf32> to vector<512xf32>
    %broadcast_in_dim3A_76 = vector.shape_cast %reduce_min3A_75 : vector<512xf32> to vector<512x1xf32>
    %add3A_77 = arith.constant 9.99999993E-9 : f32
    %add3A_78 = vector.broadcast %add3A_77 : f32 to vector<512x1xf32>
    %add3A_79 = arith.addf %broadcast_in_dim3A, %add3A_78 : vector<512x1xf32>
    %div3A = arith.constant 1.000000e+00 : f32
    %div3A_80 = vector.broadcast %div3A : f32 to vector<512x1xf32>
    %div3A_81 = arith.divf %div3A_80, %add3A_79 : vector<512x1xf32>
    %add3A_82 = arith.constant 9.99999993E-9 : f32
    %add3A_83 = vector.broadcast %add3A_82 : f32 to vector<512x1xf32>
    %add3A_84 = arith.addf %broadcast_in_dim3A_52, %add3A_83 : vector<512x1xf32>
    %div3A_85 = arith.constant 1.000000e+00 : f32
    %div3A_86 = vector.broadcast %div3A_85 : f32 to vector<512x1xf32>
    %div3A_87 = arith.divf %div3A_86, %add3A_84 : vector<512x1xf32>
    %add3A_88 = arith.constant 9.99999993E-9 : f32
    %add3A_89 = vector.broadcast %add3A_88 : f32 to vector<512x1xf32>
    %add3A_90 = arith.addf %broadcast_in_dim3A_68, %add3A_89 : vector<512x1xf32>
    %div3A_91 = arith.constant 1.000000e+00 : f32
    %div3A_92 = vector.broadcast %div3A_91 : f32 to vector<512x1xf32>
    %div3A_93 = arith.divf %div3A_92, %add3A_90 : vector<512x1xf32>
    %add3A_94 = arith.addf %div3A_81, %div3A_87 : vector<512x1xf32>
    %add3A_95 = arith.addf %add3A_94, %div3A_93 : vector<512x1xf32>
    %mul3A_96 = arith.constant 1024 : i32
    %mul3A_97 = arith.muli %arg0, %mul3A_96 : i32
    %convert_element_type3A_98 = arith.sitofp %mul3A_97 : i32 to f32
    %add3A_99 = vector.broadcast %convert_element_type3A_98 : f32 to vector<512x1xf32>
    %add3A_100 = arith.addf %broadcast_in_dim3A_44, %add3A_99 : vector<512x1xf32>
    %transpose3A_101 = tpu.transpose %add3A_100, [1, 0] : vector<512x1xf32> -> vector<1x512xf32>
    %add3A_102 = vector.broadcast %convert_element_type3A_98 : f32 to vector<512x1xf32>
    %add3A_103 = arith.addf %broadcast_in_dim3A_60, %add3A_102 : vector<512x1xf32>
    %transpose3A_104 = tpu.transpose %add3A_103, [1, 0] : vector<512x1xf32> -> vector<1x512xf32>
    %add3A_105 = vector.broadcast %convert_element_type3A_98 : f32 to vector<512x1xf32>
    %add3A_106 = arith.addf %broadcast_in_dim3A_76, %add3A_105 : vector<512x1xf32>
    %transpose3A_107 = tpu.transpose %add3A_106, [1, 0] : vector<512x1xf32> -> vector<1x512xf32>
    %broadcast_in_dim3A_108 = arith.constant 0.000000e+00 : f32
    %broadcast_in_dim3A_109 = vector.broadcast %broadcast_in_dim3A_108 : f32 to vector<5x512xf32>
    %concatenate3A = tpu.concatenate %transpose3A_101, %transpose3A_104, %transpose3A_107, %broadcast_in_dim3A_109 in 0 : vector<1x512xf32>, vector<1x512xf32>, vector<1x512xf32>, vector<5x512xf32> -> vector<8x512xf32>
    %swap3A = arith.constant 0 : index
    %swap3A_110 = arith.constant 0 : index
    %swap3A_111 = arith.constant 0 : index
    %swap3A_112 = vector.load %arg9[%swap3A, %swap3A_110, %swap3A_111] : memref<1x8x512xf32, #tpu.memory_space<vmem>>, vector<1x8x512xf32>
    %swap3A_113 = vector.shape_cast %swap3A_112 : vector<1x8x512xf32> to vector<8x512xf32>
    %swap3A_114 = vector.shape_cast %concatenate3A : vector<8x512xf32> to vector<1x8x512xf32>
    tpu.vector_store %arg9[%swap3A, %swap3A_110, %swap3A_111], %swap3A_114 {strides = array<i32>} : memref<1x8x512xf32, #tpu.memory_space<vmem>>, vector<1x8x512xf32>,
    %div3A_115 = arith.divf %div3A_81, %add3A_95 : vector<512x1xf32>
    %div3A_116 = arith.divf %div3A_87, %add3A_95 : vector<512x1xf32>
    %div3A_117 = arith.divf %div3A_93, %add3A_95 : vector<512x1xf32>
    %broadcast_in_dim3A_118 = arith.constant 0.000000e+00 : f32
    %broadcast_in_dim3A_119 = vector.broadcast %broadcast_in_dim3A_118 : f32 to vector<512x5xf32>
    %concatenate3A_120 = tpu.concatenate %div3A_115, %div3A_116, %div3A_117, %broadcast_in_dim3A_119 in 1 : vector<512x1xf32>, vector<512x1xf32>, vector<512x1xf32>, vector<512x5xf32> -> vector<512x8xf32>
    %swap3A_121 = arith.constant 0 : index
    %swap3A_122 = arith.constant 0 : index
    %swap3A_123 = arith.constant 0 : index
    %swap3A_124 = vector.load %arg10[%swap3A_121, %swap3A_122, %swap3A_123] : memref<1x512x8xf32, #tpu.memory_space<vmem>>, vector<1x512x8xf32>
    %swap3A_125 = vector.shape_cast %swap3A_124 : vector<1x512x8xf32> to vector<512x8xf32>
    %swap3A_126 = vector.shape_cast %concatenate3A_120 : vector<512x8xf32> to vector<1x512x8xf32>
    tpu.vector_store %arg10[%swap3A_121, %swap3A_122, %swap3A_123], %swap3A_126 {strides = array<i32>} : memref<1x512x8xf32, #tpu.memory_space<vmem>>, vector<1x512x8xf32>,
    return
  }
  func.func @transform_0(%arg0: i32, %arg1: i32) -> (i32, i32, i32) {
    %add3A = arith.constant 0 : i32
    %add3A_0 = arith.addi %arg0, %add3A : i32
    %c0_i32 = arith.constant 0 : i32
    %c0_i32_1 = arith.constant 0 : i32
    %c0_i32_2 = arith.constant 0 : i32
    return %add3A_0, %c0_i32, %c0_i32_1 : i32, i32, i32
  }
  func.func @transform_1(%arg0: i32, %arg1: i32) -> (i32, i32, i32) {
    %add3A = arith.constant 0 : i32
    %add3A_0 = arith.addi %arg0, %add3A : i32
    %c0_i32 = arith.constant 0 : i32
    %c0_i32_1 = arith.constant 0 : i32
    %c0_i32_2 = arith.constant 0 : i32
    return %add3A_0, %c0_i32, %c0_i32_1 : i32, i32, i32
  }
  func.func @transform_2(%arg0: i32, %arg1: i32) -> (i32, i32, i32) {
    %add3A = arith.constant 0 : i32
    %add3A_0 = arith.addi %arg0, %add3A : i32
    %c0_i32 = arith.constant 0 : i32
    %c0_i32_1 = arith.constant 0 : i32
    return %add3A_0, %c0_i32, %arg1 : i32, i32, i32
  }
  func.func @transform_3(%arg0: i32, %arg1: i32) -> (i32, i32) {
    %c0_i32 = arith.constant 0 : i32
    %c0_i32_0 = arith.constant 0 : i32
    %c0_i32_1 = arith.constant 0 : i32
    return %c0_i32, %c0_i32_0 : i32, i32
  }
  func.func @transform_4(%arg0: i32, %arg1: i32) -> (i32, i32) {
    %c0_i32 = arith.constant 0 : i32
    %c0_i32_0 = arith.constant 0 : i32
    %c0_i32_1 = arith.constant 0 : i32
    return %c0_i32, %c0_i32_0 : i32, i32
  }
  func.func @transform_5(%arg0: i32, %arg1: i32) -> (i32, i32) {
    %c0_i32 = arith.constant 0 : i32
    %c0_i32_0 = arith.constant 0 : i32
    %c0_i32_1 = arith.constant 0 : i32
    return %c0_i32, %c0_i32_0 : i32, i32
  }
  func.func @transform_6(%arg0: i32, %arg1: i32) -> (i32, i32, i32) {
    %c0_i32 = arith.constant 0 : i32
    %c0_i32_0 = arith.constant 0 : i32
    %c0_i32_1 = arith.constant 0 : i32
    return %arg0, %c0_i32, %c0_i32_0 : i32, i32, i32
  }
  func.func @transform_7(%arg0: i32, %arg1: i32) -> (i32, i32, i32) {
    %c0_i32 = arith.constant 0 : i32
    %c0_i32_0 = arith.constant 0 : i32
    return %arg0, %c0_i32, %arg1 : i32, i32, i32
  }
  func.func @transform_8(%arg0: i32, %arg1: i32) -> (i32, i32, i32) {
    %c0_i32 = arith.constant 0 : i32
    %c0_i32_0 = arith.constant 0 : i32
    return %arg0, %arg1, %c0_i32 : i32, i32, i32
  }
  func.func @transform_9(%arg0: i32, %arg1: i32) -> (i32, i32, i32) {
    %c0_i32 = arith.constant 0 : i32
    %c0_i32_0 = arith.constant 0 : i32
    %c0_i32_1 = arith.constant 0 : i32
    %c0_i32_2 = arith.constant 0 : i32
    return %c0_i32, %c0_i32_0, %c0_i32_1 : i32, i32, i32
  }
}

module attributes {stable_mosaic.version = 14 : i64} {
  func.func @_top3_body(%arg0: i32, %arg1: i32, %arg2: memref<1x3x1024xf32, #tpu.memory_space<vmem>>, %arg3: memref<1x1024x256xf32, #tpu.memory_space<vmem>>, %arg4: memref<1x3x512xf32, #tpu.memory_space<vmem>>, %arg5: memref<256x128xf32, #tpu.memory_space<vmem>>, %arg6: memref<1x128xf32, #tpu.memory_space<vmem>>, %arg7: memref<1x128xf32, #tpu.memory_space<vmem>>, %arg8: memref<1x1024x128xf32, #tpu.memory_space<vmem>>, %arg9: memref<1x8x512xf32, #tpu.memory_space<vmem>>, %arg10: memref<1x512x8xf32, #tpu.memory_space<vmem>>, %arg11: memref<8x1024xf32, #tpu.memory_space<vmem>>) attributes {dimension_semantics = [#tpu.dimension_semantics<arbitrary>, #tpu.dimension_semantics<arbitrary>], iteration_bounds = array<i64: 4, 8>, scalar_prefetch = 0 : i64, scratch_operands = 1 : i64, tpu.core_type = #tpu.core_type<tc>, window_params = [{transform_indices = @transform_0, window_bounds = array<i64: 1, 3, 1024>}, {transform_indices = @transform_1, window_bounds = array<i64: 1, 1024, 256>}, {transform_indices = @transform_2, window_bounds = array<i64: 1, 3, 512>}, {pipeline_mode = #tpu.pipeline_mode<synchronous>, transform_indices = @transform_3, window_bounds = array<i64: 256, 128>}, {pipeline_mode = #tpu.pipeline_mode<synchronous>, transform_indices = @transform_4, window_bounds = array<i64: 1, 128>}, {pipeline_mode = #tpu.pipeline_mode<synchronous>, transform_indices = @transform_5, window_bounds = array<i64: 1, 128>}, {transform_indices = @transform_6, window_bounds = array<i64: 1, 1024, 128>}, {transform_indices = @transform_7, window_bounds = array<i64: 1, 8, 512>}, {transform_indices = @transform_8, window_bounds = array<i64: 1, 512, 8>}]} {
    %get3A = arith.constant 0 : index
    %get3A_0 = arith.constant 0 : index
    %get3A_1 = arith.constant 0 : index
    %get3A_2 = vector.load %arg2[%get3A, %get3A_0, %get3A_1] : memref<1x3x1024xf32, #tpu.memory_space<vmem>>, vector<1x3x1024xf32>
    %get3A_3 = vector.shape_cast %get3A_2 : vector<1x3x1024xf32> to vector<3x1024xf32>
    %eq3A = arith.constant 0 : i32
    %eq3A_4 = arith.cmpi eq, %arg1, %eq3A : i32
    %convert_element_type3A = arith.extui %eq3A_4 : i1 to i32
    %cond3A = arith.constant 0 : i32
    %cond3A_5 = arith.cmpi ne, %convert_element_type3A, %cond3A : i32
    scf.if %cond3A_5 {
      %get3A_120 = arith.constant 0 : index
      %get3A_121 = arith.constant 0 : index
      %get3A_122 = arith.constant 0 : index
      %get3A_123 = vector.load %arg3[%get3A_120, %get3A_121, %get3A_122] : memref<1x1024x256xf32, #tpu.memory_space<vmem>>, vector<1x1024x256xf32>
      %get3A_124 = vector.shape_cast %get3A_123 : vector<1x1024x256xf32> to vector<1024x256xf32>
      %get3A_125 = arith.constant 0 : index
      %get3A_126 = arith.constant 0 : index
      %get3A_127 = vector.load %arg5[%get3A_125, %get3A_126] : memref<256x128xf32, #tpu.memory_space<vmem>>, vector<256x128xf32>
      %dot_general3A_128 = arith.constant dense<0.000000e+00> : vector<1024x128xf32>
      %dot_general3A_129 = tpu.matmul %get3A_124, %get3A_127, %dot_general3A_128 {dimension_numbers = #tpu.dot_dimension_numbers<[1], [0], [0], [1], [0, 0, 1, 1], [], []>, transpose_lhs_hint = false} : vector<1024x256xf32>, vector<256x128xf32>, vector<1024x128xf32> -> vector<1024x128xf32>
      %get3A_130 = arith.constant 0 : index
      %get3A_131 = arith.constant 0 : index
      %get3A_132 = vector.load %arg6[%get3A_130, %get3A_131] : memref<1x128xf32, #tpu.memory_space<vmem>>, vector<1x128xf32>
      %get3A_133 = vector.shape_cast %get3A_132 : vector<1x128xf32> to vector<128xf32>
      %broadcast_in_dim3A_134 = vector.shape_cast %get3A_133 : vector<128xf32> to vector<1x128xf32>
      %mul3A_135 = vector.broadcast %broadcast_in_dim3A_134 : vector<1x128xf32> to vector<1024x128xf32>
      %mul3A_136 = arith.mulf %dot_general3A_129, %mul3A_135 : vector<1024x128xf32>
      %get3A_137 = arith.constant 0 : index
      %get3A_138 = arith.constant 0 : index
      %get3A_139 = vector.load %arg7[%get3A_137, %get3A_138] : memref<1x128xf32, #tpu.memory_space<vmem>>, vector<1x128xf32>
      %get3A_140 = vector.shape_cast %get3A_139 : vector<1x128xf32> to vector<128xf32>
      %broadcast_in_dim3A_141 = vector.shape_cast %get3A_140 : vector<128xf32> to vector<1x128xf32>
      %add3A_142 = vector.broadcast %broadcast_in_dim3A_141 : vector<1x128xf32> to vector<1024x128xf32>
      %add3A_143 = arith.addf %mul3A_136, %add3A_142 : vector<1024x128xf32>
      %max3A = arith.constant 0.000000e+00 : f32
      %max3A_144 = vector.broadcast %max3A : f32 to vector<1024x128xf32>
      %max3A_145 = arith.maximumf %add3A_143, %max3A_144 : vector<1024x128xf32>
      %swap3A_146 = arith.constant 0 : index
      %swap3A_147 = arith.constant 0 : index
      %swap3A_148 = arith.constant 0 : index
      %swap3A_149 = vector.load %arg8[%swap3A_146, %swap3A_147, %swap3A_148] : memref<1x1024x128xf32, #tpu.memory_space<vmem>>, vector<1x1024x128xf32>
      %swap3A_150 = vector.shape_cast %swap3A_149 : vector<1x1024x128xf32> to vector<1024x128xf32>
      %swap3A_151 = vector.shape_cast %max3A_145 : vector<1024x128xf32> to vector<1x1024x128xf32>
      tpu.vector_store %arg8[%swap3A_146, %swap3A_147, %swap3A_148], %swap3A_151 {strides = array<i32>} : memref<1x1024x128xf32, #tpu.memory_space<vmem>>, vector<1x1024x128xf32>,
      %slice3A_152 = vector.extract_strided_slice %get3A_3 {offsets = [0, 0], sizes = [1, 1024], strides = [1, 1]} : vector<3x1024xf32> to vector<1x1024xf32>
      %slice3A_153 = vector.extract_strided_slice %get3A_3 {offsets = [0, 0], sizes = [1, 1024], strides = [1, 1]} : vector<3x1024xf32> to vector<1x1024xf32>
      %mul3A_154 = arith.mulf %slice3A_152, %slice3A_153 : vector<1x1024xf32>
      %slice3A_155 = vector.extract_strided_slice %get3A_3 {offsets = [1, 0], sizes = [1, 1024], strides = [1, 1]} : vector<3x1024xf32> to vector<1x1024xf32>
      %slice3A_156 = vector.extract_strided_slice %get3A_3 {offsets = [1, 0], sizes = [1, 1024], strides = [1, 1]} : vector<3x1024xf32> to vector<1x1024xf32>
      %mul3A_157 = arith.mulf %slice3A_155, %slice3A_156 : vector<1x1024xf32>
      %add3A_158 = arith.addf %mul3A_154, %mul3A_157 : vector<1x1024xf32>
      %slice3A_159 = vector.extract_strided_slice %get3A_3 {offsets = [2, 0], sizes = [1, 1024], strides = [1, 1]} : vector<3x1024xf32> to vector<1x1024xf32>
      %slice3A_160 = vector.extract_strided_slice %get3A_3 {offsets = [2, 0], sizes = [1, 1024], strides = [1, 1]} : vector<3x1024xf32> to vector<1x1024xf32>
      %mul3A_161 = arith.mulf %slice3A_159, %slice3A_160 : vector<1x1024xf32>
      %add3A_162 = arith.addf %add3A_158, %mul3A_161 : vector<1x1024xf32>
      %swap3A_163 = arith.constant 0 : index
      %swap3A_164 = arith.constant 0 : index
      %swap3A_165 = vector.load %arg11[%swap3A_163, %swap3A_164] : memref<8x1024xf32, #tpu.memory_space<vmem>>, vector<1x1024xf32>
      tpu.vector_store %arg11[%swap3A_163, %swap3A_164], %add3A_162 {strides = array<i32>} : memref<8x1024xf32, #tpu.memory_space<vmem>>, vector<1x1024xf32>,
    } else {
    }
    %get3A_6 = arith.constant 0 : index
    %get3A_7 = arith.constant 0 : index
    %get3A_8 = vector.load %arg11[%get3A_6, %get3A_7] : memref<8x1024xf32, #tpu.memory_space<vmem>>, vector<1x1024xf32>
    %get3A_9 = arith.constant 0 : index
    %get3A_10 = arith.constant 0 : index
    %get3A_11 = arith.constant 0 : index
    %get3A_12 = vector.load %arg4[%get3A_9, %get3A_10, %get3A_11] : memref<1x3x512xf32, #tpu.memory_space<vmem>>, vector<1x3x512xf32>
    %get3A_13 = vector.shape_cast %get3A_12 : vector<1x3x512xf32> to vector<3x512xf32>
    %slice3A = vector.extract_strided_slice %get3A_13 {offsets = [0, 0], sizes = [1, 512], strides = [1, 1]} : vector<3x512xf32> to vector<1x512xf32>
    %slice3A_14 = vector.extract_strided_slice %get3A_13 {offsets = [0, 0], sizes = [1, 512], strides = [1, 1]} : vector<3x512xf32> to vector<1x512xf32>
    %mul3A = arith.mulf %slice3A, %slice3A_14 : vector<1x512xf32>
    %slice3A_15 = vector.extract_strided_slice %get3A_13 {offsets = [1, 0], sizes = [1, 512], strides = [1, 1]} : vector<3x512xf32> to vector<1x512xf32>
    %slice3A_16 = vector.extract_strided_slice %get3A_13 {offsets = [1, 0], sizes = [1, 512], strides = [1, 1]} : vector<3x512xf32> to vector<1x512xf32>
    %mul3A_17 = arith.mulf %slice3A_15, %slice3A_16 : vector<1x512xf32>
    %add3A = arith.addf %mul3A, %mul3A_17 : vector<1x512xf32>
    %slice3A_18 = vector.extract_strided_slice %get3A_13 {offsets = [2, 0], sizes = [1, 512], strides = [1, 1]} : vector<3x512xf32> to vector<1x512xf32>
    %slice3A_19 = vector.extract_strided_slice %get3A_13 {offsets = [2, 0], sizes = [1, 512], strides = [1, 1]} : vector<3x512xf32> to vector<1x512xf32>
    %mul3A_20 = arith.mulf %slice3A_18, %slice3A_19 : vector<1x512xf32>
    %add3A_21 = arith.addf %add3A, %mul3A_20 : vector<1x512xf32>
    %transpose3A = tpu.transpose %add3A_21, [1, 0] : vector<1x512xf32> -> vector<512x1xf32>
    %mul3A_22 = arith.constant -2.000000e+00 : f32
    %mul3A_23 = vector.broadcast %mul3A_22 : f32 to vector<3x512xf32>
    %mul3A_24 = arith.mulf %mul3A_23, %get3A_13 : vector<3x512xf32>
    %dot_general3A = arith.constant dense<0.000000e+00> : vector<512x1024xf32>
    %dot_general3A_25 = tpu.matmul %mul3A_24, %get3A_3, %dot_general3A {dimension_numbers = #tpu.dot_dimension_numbers<[0], [0], [1], [1], [0, 1, 1, 1], [], []>, transpose_lhs_hint = false} : vector<3x512xf32>, vector<3x1024xf32>, vector<512x1024xf32> -> vector<512x1024xf32>
    %add3A_26 = vector.broadcast %transpose3A : vector<512x1xf32> to vector<512x1024xf32>
    %add3A_27 = arith.addf %dot_general3A_25, %add3A_26 : vector<512x1024xf32>
    %add3A_28 = vector.broadcast %get3A_8 : vector<1x1024xf32> to vector<512x1024xf32>
    %add3A_29 = arith.addf %add3A_27, %add3A_28 : vector<512x1024xf32>
    %iota3A = tpu.iota {dimensions = array<i32: 1>} : vector<512x1024xi32>
    %convert_element_type3A_30 = arith.sitofp %iota3A : vector<512x1024xi32> to vector<512x1024xf32>
    %reduce_min3A = arith.constant dense<0x7F800000> : vector<512xf32>
    %reduce_min3A_31 = vector.multi_reduction <minimumf>, %add3A_29, %reduce_min3A [1] : vector<512x1024xf32> to vector<512xf32>
    %broadcast_in_dim3A = vector.shape_cast %reduce_min3A_31 : vector<512xf32> to vector<512x1xf32>
    %eq3A_32 = vector.broadcast %broadcast_in_dim3A : vector<512x1xf32> to vector<512x1024xf32>
    %eq3A_33 = arith.cmpf oeq, %add3A_29, %eq3A_32 : vector<512x1024xf32>
    %jit3A = arith.constant 1.07374182E+9 : f32
    %broadcast_in_dim3A_34 = vector.broadcast %jit3A : f32 to vector<512x1024xf32>
    %select_n3A = arith.select %eq3A_33, %convert_element_type3A_30, %broadcast_in_dim3A_34 : vector<512x1024xi1>, vector<512x1024xf32>
    %reduce_min3A_35 = arith.constant dense<0x7F800000> : vector<512xf32>
    %reduce_min3A_36 = vector.multi_reduction <minimumf>, %select_n3A, %reduce_min3A_35 [1] : vector<512x1024xf32> to vector<512xf32>
    %broadcast_in_dim3A_37 = vector.shape_cast %reduce_min3A_36 : vector<512xf32> to vector<512x1xf32>
    %eq3A_38 = vector.broadcast %broadcast_in_dim3A_37 : vector<512x1xf32> to vector<512x1024xf32>
    %eq3A_39 = arith.cmpf oeq, %convert_element_type3A_30, %eq3A_38 : vector<512x1024xf32>
    %jit3A_40 = arith.constant 1.000000e+30 : f32
    %broadcast_in_dim3A_41 = vector.broadcast %jit3A_40 : f32 to vector<512x1024xf32>
    %select_n3A_42 = arith.select %eq3A_39, %broadcast_in_dim3A_41, %add3A_29 : vector<512x1024xi1>, vector<512x1024xf32>
    %reduce_min3A_43 = arith.constant dense<0x7F800000> : vector<512xf32>
    %reduce_min3A_44 = vector.multi_reduction <minimumf>, %select_n3A_42, %reduce_min3A_43 [1] : vector<512x1024xf32> to vector<512xf32>
    %broadcast_in_dim3A_45 = vector.shape_cast %reduce_min3A_44 : vector<512xf32> to vector<512x1xf32>
    %eq3A_46 = vector.broadcast %broadcast_in_dim3A_45 : vector<512x1xf32> to vector<512x1024xf32>
    %eq3A_47 = arith.cmpf oeq, %select_n3A_42, %eq3A_46 : vector<512x1024xf32>
    %jit3A_48 = arith.constant 1.07374182E+9 : f32
    %broadcast_in_dim3A_49 = vector.broadcast %jit3A_48 : f32 to vector<512x1024xf32>
    %select_n3A_50 = arith.select %eq3A_47, %convert_element_type3A_30, %broadcast_in_dim3A_49 : vector<512x1024xi1>, vector<512x1024xf32>
    %reduce_min3A_51 = arith.constant dense<0x7F800000> : vector<512xf32>
    %reduce_min3A_52 = vector.multi_reduction <minimumf>, %select_n3A_50, %reduce_min3A_51 [1] : vector<512x1024xf32> to vector<512xf32>
    %broadcast_in_dim3A_53 = vector.shape_cast %reduce_min3A_52 : vector<512xf32> to vector<512x1xf32>
    %eq3A_54 = vector.broadcast %broadcast_in_dim3A_53 : vector<512x1xf32> to vector<512x1024xf32>
    %eq3A_55 = arith.cmpf oeq, %convert_element_type3A_30, %eq3A_54 : vector<512x1024xf32>
    %jit3A_56 = arith.constant 1.000000e+30 : f32
    %broadcast_in_dim3A_57 = vector.broadcast %jit3A_56 : f32 to vector<512x1024xf32>
    %select_n3A_58 = arith.select %eq3A_55, %broadcast_in_dim3A_57, %select_n3A_42 : vector<512x1024xi1>, vector<512x1024xf32>
    %reduce_min3A_59 = arith.constant dense<0x7F800000> : vector<512xf32>
    %reduce_min3A_60 = vector.multi_reduction <minimumf>, %select_n3A_58, %reduce_min3A_59 [1] : vector<512x1024xf32> to vector<512xf32>
    %broadcast_in_dim3A_61 = vector.shape_cast %reduce_min3A_60 : vector<512xf32> to vector<512x1xf32>
    %eq3A_62 = vector.broadcast %broadcast_in_dim3A_61 : vector<512x1xf32> to vector<512x1024xf32>
    %eq3A_63 = arith.cmpf oeq, %select_n3A_58, %eq3A_62 : vector<512x1024xf32>
    %jit3A_64 = arith.constant 1.07374182E+9 : f32
    %broadcast_in_dim3A_65 = vector.broadcast %jit3A_64 : f32 to vector<512x1024xf32>
    %select_n3A_66 = arith.select %eq3A_63, %convert_element_type3A_30, %broadcast_in_dim3A_65 : vector<512x1024xi1>, vector<512x1024xf32>
    %reduce_min3A_67 = arith.constant dense<0x7F800000> : vector<512xf32>
    %reduce_min3A_68 = vector.multi_reduction <minimumf>, %select_n3A_66, %reduce_min3A_67 [1] : vector<512x1024xf32> to vector<512xf32>
    %broadcast_in_dim3A_69 = vector.shape_cast %reduce_min3A_68 : vector<512xf32> to vector<512x1xf32>
    %add3A_70 = arith.constant 9.99999993E-9 : f32
    %add3A_71 = vector.broadcast %add3A_70 : f32 to vector<512x1xf32>
    %add3A_72 = arith.addf %broadcast_in_dim3A, %add3A_71 : vector<512x1xf32>
    %div3A = arith.constant 1.000000e+00 : f32
    %div3A_73 = vector.broadcast %div3A : f32 to vector<512x1xf32>
    %div3A_74 = arith.divf %div3A_73, %add3A_72 : vector<512x1xf32>
    %add3A_75 = arith.constant 9.99999993E-9 : f32
    %add3A_76 = vector.broadcast %add3A_75 : f32 to vector<512x1xf32>
    %add3A_77 = arith.addf %broadcast_in_dim3A_45, %add3A_76 : vector<512x1xf32>
    %div3A_78 = arith.constant 1.000000e+00 : f32
    %div3A_79 = vector.broadcast %div3A_78 : f32 to vector<512x1xf32>
    %div3A_80 = arith.divf %div3A_79, %add3A_77 : vector<512x1xf32>
    %add3A_81 = arith.constant 9.99999993E-9 : f32
    %add3A_82 = vector.broadcast %add3A_81 : f32 to vector<512x1xf32>
    %add3A_83 = arith.addf %broadcast_in_dim3A_61, %add3A_82 : vector<512x1xf32>
    %div3A_84 = arith.constant 1.000000e+00 : f32
    %div3A_85 = vector.broadcast %div3A_84 : f32 to vector<512x1xf32>
    %div3A_86 = arith.divf %div3A_85, %add3A_83 : vector<512x1xf32>
    %add3A_87 = arith.addf %div3A_74, %div3A_80 : vector<512x1xf32>
    %add3A_88 = arith.addf %add3A_87, %div3A_86 : vector<512x1xf32>
    %mul3A_89 = arith.constant 1024 : i32
    %mul3A_90 = arith.muli %arg0, %mul3A_89 : i32
    %convert_element_type3A_91 = arith.sitofp %mul3A_90 : i32 to f32
    %add3A_92 = vector.broadcast %convert_element_type3A_91 : f32 to vector<512x1xf32>
    %add3A_93 = arith.addf %broadcast_in_dim3A_37, %add3A_92 : vector<512x1xf32>
    %transpose3A_94 = tpu.transpose %add3A_93, [1, 0] : vector<512x1xf32> -> vector<1x512xf32>
    %add3A_95 = vector.broadcast %convert_element_type3A_91 : f32 to vector<512x1xf32>
    %add3A_96 = arith.addf %broadcast_in_dim3A_53, %add3A_95 : vector<512x1xf32>
    %transpose3A_97 = tpu.transpose %add3A_96, [1, 0] : vector<512x1xf32> -> vector<1x512xf32>
    %add3A_98 = vector.broadcast %convert_element_type3A_91 : f32 to vector<512x1xf32>
    %add3A_99 = arith.addf %broadcast_in_dim3A_69, %add3A_98 : vector<512x1xf32>
    %transpose3A_100 = tpu.transpose %add3A_99, [1, 0] : vector<512x1xf32> -> vector<1x512xf32>
    %broadcast_in_dim3A_101 = arith.constant 0.000000e+00 : f32
    %broadcast_in_dim3A_102 = vector.broadcast %broadcast_in_dim3A_101 : f32 to vector<5x512xf32>
    %concatenate3A = tpu.concatenate %transpose3A_94, %transpose3A_97, %transpose3A_100, %broadcast_in_dim3A_102 in 0 : vector<1x512xf32>, vector<1x512xf32>, vector<1x512xf32>, vector<5x512xf32> -> vector<8x512xf32>
    %swap3A = arith.constant 0 : index
    %swap3A_103 = arith.constant 0 : index
    %swap3A_104 = arith.constant 0 : index
    %swap3A_105 = vector.load %arg9[%swap3A, %swap3A_103, %swap3A_104] : memref<1x8x512xf32, #tpu.memory_space<vmem>>, vector<1x8x512xf32>
    %swap3A_106 = vector.shape_cast %swap3A_105 : vector<1x8x512xf32> to vector<8x512xf32>
    %swap3A_107 = vector.shape_cast %concatenate3A : vector<8x512xf32> to vector<1x8x512xf32>
    tpu.vector_store %arg9[%swap3A, %swap3A_103, %swap3A_104], %swap3A_107 {strides = array<i32>} : memref<1x8x512xf32, #tpu.memory_space<vmem>>, vector<1x8x512xf32>,
    %div3A_108 = arith.divf %div3A_74, %add3A_88 : vector<512x1xf32>
    %div3A_109 = arith.divf %div3A_80, %add3A_88 : vector<512x1xf32>
    %div3A_110 = arith.divf %div3A_86, %add3A_88 : vector<512x1xf32>
    %broadcast_in_dim3A_111 = arith.constant 0.000000e+00 : f32
    %broadcast_in_dim3A_112 = vector.broadcast %broadcast_in_dim3A_111 : f32 to vector<512x5xf32>
    %concatenate3A_113 = tpu.concatenate %div3A_108, %div3A_109, %div3A_110, %broadcast_in_dim3A_112 in 1 : vector<512x1xf32>, vector<512x1xf32>, vector<512x1xf32>, vector<512x5xf32> -> vector<512x8xf32>
    %swap3A_114 = arith.constant 0 : index
    %swap3A_115 = arith.constant 0 : index
    %swap3A_116 = arith.constant 0 : index
    %swap3A_117 = vector.load %arg10[%swap3A_114, %swap3A_115, %swap3A_116] : memref<1x512x8xf32, #tpu.memory_space<vmem>>, vector<1x512x8xf32>
    %swap3A_118 = vector.shape_cast %swap3A_117 : vector<1x512x8xf32> to vector<512x8xf32>
    %swap3A_119 = vector.shape_cast %concatenate3A_113 : vector<512x8xf32> to vector<1x512x8xf32>
    tpu.vector_store %arg10[%swap3A_114, %swap3A_115, %swap3A_116], %swap3A_119 {strides = array<i32>} : memref<1x512x8xf32, #tpu.memory_space<vmem>>, vector<1x512x8xf32>,
    return
  }
  func.func @transform_0(%arg0: i32, %arg1: i32) -> (i32, i32, i32) {
    %add3A = arith.constant 4 : i32
    %add3A_0 = arith.addi %arg0, %add3A : i32
    %c0_i32 = arith.constant 0 : i32
    %c0_i32_1 = arith.constant 0 : i32
    %c0_i32_2 = arith.constant 0 : i32
    return %add3A_0, %c0_i32, %c0_i32_1 : i32, i32, i32
  }
  func.func @transform_1(%arg0: i32, %arg1: i32) -> (i32, i32, i32) {
    %add3A = arith.constant 4 : i32
    %add3A_0 = arith.addi %arg0, %add3A : i32
    %c0_i32 = arith.constant 0 : i32
    %c0_i32_1 = arith.constant 0 : i32
    %c0_i32_2 = arith.constant 0 : i32
    return %add3A_0, %c0_i32, %c0_i32_1 : i32, i32, i32
  }
  func.func @transform_2(%arg0: i32, %arg1: i32) -> (i32, i32, i32) {
    %add3A = arith.constant 4 : i32
    %add3A_0 = arith.addi %arg0, %add3A : i32
    %c0_i32 = arith.constant 0 : i32
    %c0_i32_1 = arith.constant 0 : i32
    return %add3A_0, %c0_i32, %arg1 : i32, i32, i32
  }
  func.func @transform_3(%arg0: i32, %arg1: i32) -> (i32, i32) {
    %c0_i32 = arith.constant 0 : i32
    %c0_i32_0 = arith.constant 0 : i32
    %c0_i32_1 = arith.constant 0 : i32
    return %c0_i32, %c0_i32_0 : i32, i32
  }
  func.func @transform_4(%arg0: i32, %arg1: i32) -> (i32, i32) {
    %c0_i32 = arith.constant 0 : i32
    %c0_i32_0 = arith.constant 0 : i32
    %c0_i32_1 = arith.constant 0 : i32
    return %c0_i32, %c0_i32_0 : i32, i32
  }
  func.func @transform_5(%arg0: i32, %arg1: i32) -> (i32, i32) {
    %c0_i32 = arith.constant 0 : i32
    %c0_i32_0 = arith.constant 0 : i32
    %c0_i32_1 = arith.constant 0 : i32
    return %c0_i32, %c0_i32_0 : i32, i32
  }
  func.func @transform_6(%arg0: i32, %arg1: i32) -> (i32, i32, i32) {
    %c0_i32 = arith.constant 0 : i32
    %c0_i32_0 = arith.constant 0 : i32
    %c0_i32_1 = arith.constant 0 : i32
    return %arg0, %c0_i32, %c0_i32_0 : i32, i32, i32
  }
  func.func @transform_7(%arg0: i32, %arg1: i32) -> (i32, i32, i32) {
    %c0_i32 = arith.constant 0 : i32
    %c0_i32_0 = arith.constant 0 : i32
    return %arg0, %c0_i32, %arg1 : i32, i32, i32
  }
  func.func @transform_8(%arg0: i32, %arg1: i32) -> (i32, i32, i32) {
    %c0_i32 = arith.constant 0 : i32
    %c0_i32_0 = arith.constant 0 : i32
    return %arg0, %arg1, %c0_i32 : i32, i32, i32
  }
}

module attributes {stable_mosaic.version = 14 : i64} {
  func.func @_combine_body(%arg0: i32, %arg1: i32, %arg2: memref<1x512x128xf32, #tpu.memory_space<vmem>>, %arg3: memref<128x128xf32, #tpu.memory_space<vmem>>, %arg4: memref<1x128xf32, #tpu.memory_space<vmem>>, %arg5: memref<1x128xf32, #tpu.memory_space<vmem>>, %arg6: memref<1x512x8xf32, #tpu.memory_space<vmem>>, %arg7: memref<1x1x512x128xf32, #tpu.memory_space<vmem>>, %arg8: memref<1x1x512x128xf32, #tpu.memory_space<vmem>>, %arg9: memref<1x1x512x128xf32, #tpu.memory_space<vmem>>, %arg10: memref<8x4096x128xf32, #tpu.memory_space<hbm>>, %arg11: memref<1x512x128xf32, #tpu.memory_space<vmem>>) attributes {dimension_semantics = [#tpu.dimension_semantics<arbitrary>, #tpu.dimension_semantics<arbitrary>], iteration_bounds = array<i64: 4, 8>, scalar_prefetch = 0 : i64, scratch_operands = 0 : i64, tpu.core_type = #tpu.core_type<tc>, window_params = [{transform_indices = @transform_0, window_bounds = array<i64: 1, 512, 128>}, {pipeline_mode = #tpu.pipeline_mode<synchronous>, transform_indices = @transform_1, window_bounds = array<i64: 128, 128>}, {pipeline_mode = #tpu.pipeline_mode<synchronous>, transform_indices = @transform_2, window_bounds = array<i64: 1, 128>}, {pipeline_mode = #tpu.pipeline_mode<synchronous>, transform_indices = @transform_3, window_bounds = array<i64: 1, 128>}, {transform_indices = @transform_4, window_bounds = array<i64: 1, 512, 8>}, {transform_indices = @transform_5, window_bounds = array<i64: 1, 1, 512, 128>}, {transform_indices = @transform_6, window_bounds = array<i64: 1, 1, 512, 128>}, {transform_indices = @transform_7, window_bounds = array<i64: 1, 1, 512, 128>}, {}, {transform_indices = @transform_9, window_bounds = array<i64: 1, 512, 128>}]} {
    %get3A = arith.constant 0 : index
    %get3A_0 = arith.constant 0 : index
    %get3A_1 = arith.constant 0 : index
    %get3A_2 = vector.load %arg2[%get3A, %get3A_0, %get3A_1] : memref<1x512x128xf32, #tpu.memory_space<vmem>>, vector<1x512x128xf32>
    %get3A_3 = vector.shape_cast %get3A_2 : vector<1x512x128xf32> to vector<512x128xf32>
    %get3A_4 = arith.constant 0 : index
    %get3A_5 = arith.constant 0 : index
    %get3A_6 = vector.load %arg3[%get3A_4, %get3A_5] : memref<128x128xf32, #tpu.memory_space<vmem>>, vector<128x128xf32>
    %dot_general3A = arith.constant dense<0.000000e+00> : vector<512x128xf32>
    %dot_general3A_7 = tpu.matmul %get3A_3, %get3A_6, %dot_general3A {dimension_numbers = #tpu.dot_dimension_numbers<[1], [0], [0], [1], [0, 0, 1, 1], [], []>, transpose_lhs_hint = false} : vector<512x128xf32>, vector<128x128xf32>, vector<512x128xf32> -> vector<512x128xf32>
    %get3A_8 = arith.constant 0 : index
    %get3A_9 = arith.constant 0 : index
    %get3A_10 = vector.load %arg4[%get3A_8, %get3A_9] : memref<1x128xf32, #tpu.memory_space<vmem>>, vector<1x128xf32>
    %get3A_11 = vector.shape_cast %get3A_10 : vector<1x128xf32> to vector<128xf32>
    %broadcast_in_dim3A = vector.shape_cast %get3A_11 : vector<128xf32> to vector<1x128xf32>
    %mul3A = vector.broadcast %broadcast_in_dim3A : vector<1x128xf32> to vector<512x128xf32>
    %mul3A_12 = arith.mulf %dot_general3A_7, %mul3A : vector<512x128xf32>
    %get3A_13 = arith.constant 0 : index
    %get3A_14 = arith.constant 0 : index
    %get3A_15 = vector.load %arg5[%get3A_13, %get3A_14] : memref<1x128xf32, #tpu.memory_space<vmem>>, vector<1x128xf32>
    %get3A_16 = vector.shape_cast %get3A_15 : vector<1x128xf32> to vector<128xf32>
    %broadcast_in_dim3A_17 = vector.shape_cast %get3A_16 : vector<128xf32> to vector<1x128xf32>
    %add3A = vector.broadcast %broadcast_in_dim3A_17 : vector<1x128xf32> to vector<512x128xf32>
    %add3A_18 = arith.addf %mul3A_12, %add3A : vector<512x128xf32>
    %max3A = arith.constant 0.000000e+00 : f32
    %max3A_19 = vector.broadcast %max3A : f32 to vector<512x128xf32>
    %max3A_20 = arith.maximumf %add3A_18, %max3A_19 : vector<512x128xf32>
    %get3A_21 = arith.constant 0 : index
    %get3A_22 = arith.constant 0 : index
    %get3A_23 = arith.constant 0 : index
    %get3A_24 = vector.load %arg6[%get3A_21, %get3A_22, %get3A_23] : memref<1x512x8xf32, #tpu.memory_space<vmem>>, vector<1x512x8xf32>
    %get3A_25 = vector.shape_cast %get3A_24 : vector<1x512x8xf32> to vector<512x8xf32>
    %slice3A = vector.extract_strided_slice %get3A_25 {offsets = [0, 0], sizes = [512, 1], strides = [1, 1]} : vector<512x8xf32> to vector<512x1xf32>
    %get3A_26 = arith.constant 0 : index
    %get3A_27 = arith.constant 0 : index
    %get3A_28 = arith.constant 0 : index
    %get3A_29 = arith.constant 0 : index
    %get3A_30 = vector.load %arg7[%get3A_26, %get3A_27, %get3A_28, %get3A_29] : memref<1x1x512x128xf32, #tpu.memory_space<vmem>>, vector<1x1x512x128xf32>
    %get3A_31 = vector.shape_cast %get3A_30 : vector<1x1x512x128xf32> to vector<512x128xf32>
    %mul3A_32 = vector.broadcast %slice3A : vector<512x1xf32> to vector<512x128xf32>
    %mul3A_33 = arith.mulf %mul3A_32, %get3A_31 : vector<512x128xf32>
    %add3A_34 = arith.addf %max3A_20, %mul3A_33 : vector<512x128xf32>
    %slice3A_35 = vector.extract_strided_slice %get3A_25 {offsets = [0, 1], sizes = [512, 1], strides = [1, 1]} : vector<512x8xf32> to vector<512x1xf32>
    %get3A_36 = arith.constant 0 : index
    %get3A_37 = arith.constant 0 : index
    %get3A_38 = arith.constant 0 : index
    %get3A_39 = arith.constant 0 : index
    %get3A_40 = vector.load %arg8[%get3A_36, %get3A_37, %get3A_38, %get3A_39] : memref<1x1x512x128xf32, #tpu.memory_space<vmem>>, vector<1x1x512x128xf32>
    %get3A_41 = vector.shape_cast %get3A_40 : vector<1x1x512x128xf32> to vector<512x128xf32>
    %mul3A_42 = vector.broadcast %slice3A_35 : vector<512x1xf32> to vector<512x128xf32>
    %mul3A_43 = arith.mulf %mul3A_42, %get3A_41 : vector<512x128xf32>
    %add3A_44 = arith.addf %add3A_34, %mul3A_43 : vector<512x128xf32>
    %slice3A_45 = vector.extract_strided_slice %get3A_25 {offsets = [0, 2], sizes = [512, 1], strides = [1, 1]} : vector<512x8xf32> to vector<512x1xf32>
    %get3A_46 = arith.constant 0 : index
    %get3A_47 = arith.constant 0 : index
    %get3A_48 = arith.constant 0 : index
    %get3A_49 = arith.constant 0 : index
    %get3A_50 = vector.load %arg9[%get3A_46, %get3A_47, %get3A_48, %get3A_49] : memref<1x1x512x128xf32, #tpu.memory_space<vmem>>, vector<1x1x512x128xf32>
    %get3A_51 = vector.shape_cast %get3A_50 : vector<1x1x512x128xf32> to vector<512x128xf32>
    %mul3A_52 = vector.broadcast %slice3A_45 : vector<512x1xf32> to vector<512x128xf32>
    %mul3A_53 = arith.mulf %mul3A_52, %get3A_51 : vector<512x128xf32>
    %add3A_54 = arith.addf %add3A_44, %mul3A_53 : vector<512x128xf32>
    %swap3A = arith.constant 0 : index
    %swap3A_55 = arith.constant 0 : index
    %swap3A_56 = arith.constant 0 : index
    %swap3A_57 = vector.load %arg11[%swap3A, %swap3A_55, %swap3A_56] : memref<1x512x128xf32, #tpu.memory_space<vmem>>, vector<1x512x128xf32>
    %swap3A_58 = vector.shape_cast %swap3A_57 : vector<1x512x128xf32> to vector<512x128xf32>
    %swap3A_59 = vector.shape_cast %add3A_54 : vector<512x128xf32> to vector<1x512x128xf32>
    tpu.vector_store %arg11[%swap3A, %swap3A_55, %swap3A_56], %swap3A_59 {strides = array<i32>} : memref<1x512x128xf32, #tpu.memory_space<vmem>>, vector<1x512x128xf32>,
    return
  }
  func.func @transform_0(%arg0: i32, %arg1: i32) -> (i32, i32, i32) {
    %add3A = arith.constant 0 : i32
    %add3A_0 = arith.addi %arg0, %add3A : i32
    %c0_i32 = arith.constant 0 : i32
    %c0_i32_1 = arith.constant 0 : i32
    return %add3A_0, %arg1, %c0_i32 : i32, i32, i32
  }
  func.func @transform_1(%arg0: i32, %arg1: i32) -> (i32, i32) {
    %c0_i32 = arith.constant 0 : i32
    %c0_i32_0 = arith.constant 0 : i32
    %c0_i32_1 = arith.constant 0 : i32
    return %c0_i32, %c0_i32_0 : i32, i32
  }
  func.func @transform_2(%arg0: i32, %arg1: i32) -> (i32, i32) {
    %c0_i32 = arith.constant 0 : i32
    %c0_i32_0 = arith.constant 0 : i32
    %c0_i32_1 = arith.constant 0 : i32
    return %c0_i32, %c0_i32_0 : i32, i32
  }
  func.func @transform_3(%arg0: i32, %arg1: i32) -> (i32, i32) {
    %c0_i32 = arith.constant 0 : i32
    %c0_i32_0 = arith.constant 0 : i32
    %c0_i32_1 = arith.constant 0 : i32
    return %c0_i32, %c0_i32_0 : i32, i32
  }
  func.func @transform_4(%arg0: i32, %arg1: i32) -> (i32, i32, i32) {
    %c0_i32 = arith.constant 0 : i32
    %c0_i32_0 = arith.constant 0 : i32
    return %arg0, %arg1, %c0_i32 : i32, i32, i32
  }
  func.func @transform_5(%arg0: i32, %arg1: i32) -> (i32, i32, i32, i32) {
    %c0_i32 = arith.constant 0 : i32
    %c0_i32_0 = arith.constant 0 : i32
    %c0_i32_1 = arith.constant 0 : i32
    return %c0_i32, %arg0, %arg1, %c0_i32_0 : i32, i32, i32, i32
  }
  func.func @transform_6(%arg0: i32, %arg1: i32) -> (i32, i32, i32, i32) {
    %c1_i32 = arith.constant 1 : i32
    %c0_i32 = arith.constant 0 : i32
    %c0_i32_0 = arith.constant 0 : i32
    return %c1_i32, %arg0, %arg1, %c0_i32 : i32, i32, i32, i32
  }
  func.func @transform_7(%arg0: i32, %arg1: i32) -> (i32, i32, i32, i32) {
    %c2_i32 = arith.constant 2 : i32
    %c0_i32 = arith.constant 0 : i32
    %c0_i32_0 = arith.constant 0 : i32
    return %c2_i32, %arg0, %arg1, %c0_i32 : i32, i32, i32, i32
  }
  func.func @transform_9(%arg0: i32, %arg1: i32) -> (i32, i32, i32) {
    %add3A = arith.constant 0 : i32
    %add3A_0 = arith.addi %arg0, %add3A : i32
    %c0_i32 = arith.constant 0 : i32
    %c0_i32_1 = arith.constant 0 : i32
    return %add3A_0, %arg1, %c0_i32 : i32, i32, i32
  }
}

module attributes {stable_mosaic.version = 14 : i64} {
  func.func @_combine_body(%arg0: i32, %arg1: i32, %arg2: memref<1x512x128xf32, #tpu.memory_space<vmem>>, %arg3: memref<128x128xf32, #tpu.memory_space<vmem>>, %arg4: memref<1x128xf32, #tpu.memory_space<vmem>>, %arg5: memref<1x128xf32, #tpu.memory_space<vmem>>, %arg6: memref<1x512x8xf32, #tpu.memory_space<vmem>>, %arg7: memref<1x1x512x128xf32, #tpu.memory_space<vmem>>, %arg8: memref<1x1x512x128xf32, #tpu.memory_space<vmem>>, %arg9: memref<1x1x512x128xf32, #tpu.memory_space<vmem>>, %arg10: memref<8x4096x128xf32, #tpu.memory_space<hbm>>, %arg11: memref<1x512x128xf32, #tpu.memory_space<vmem>>) attributes {dimension_semantics = [#tpu.dimension_semantics<arbitrary>, #tpu.dimension_semantics<arbitrary>], iteration_bounds = array<i64: 4, 8>, scalar_prefetch = 0 : i64, scratch_operands = 0 : i64, tpu.core_type = #tpu.core_type<tc>, window_params = [{transform_indices = @transform_0, window_bounds = array<i64: 1, 512, 128>}, {pipeline_mode = #tpu.pipeline_mode<synchronous>, transform_indices = @transform_1, window_bounds = array<i64: 128, 128>}, {pipeline_mode = #tpu.pipeline_mode<synchronous>, transform_indices = @transform_2, window_bounds = array<i64: 1, 128>}, {pipeline_mode = #tpu.pipeline_mode<synchronous>, transform_indices = @transform_3, window_bounds = array<i64: 1, 128>}, {transform_indices = @transform_4, window_bounds = array<i64: 1, 512, 8>}, {transform_indices = @transform_5, window_bounds = array<i64: 1, 1, 512, 128>}, {transform_indices = @transform_6, window_bounds = array<i64: 1, 1, 512, 128>}, {transform_indices = @transform_7, window_bounds = array<i64: 1, 1, 512, 128>}, {}, {transform_indices = @transform_9, window_bounds = array<i64: 1, 512, 128>}]} {
    %get3A = arith.constant 0 : index
    %get3A_0 = arith.constant 0 : index
    %get3A_1 = arith.constant 0 : index
    %get3A_2 = vector.load %arg2[%get3A, %get3A_0, %get3A_1] : memref<1x512x128xf32, #tpu.memory_space<vmem>>, vector<1x512x128xf32>
    %get3A_3 = vector.shape_cast %get3A_2 : vector<1x512x128xf32> to vector<512x128xf32>
    %get3A_4 = arith.constant 0 : index
    %get3A_5 = arith.constant 0 : index
    %get3A_6 = vector.load %arg3[%get3A_4, %get3A_5] : memref<128x128xf32, #tpu.memory_space<vmem>>, vector<128x128xf32>
    %dot_general3A = arith.constant dense<0.000000e+00> : vector<512x128xf32>
    %dot_general3A_7 = tpu.matmul %get3A_3, %get3A_6, %dot_general3A {dimension_numbers = #tpu.dot_dimension_numbers<[1], [0], [0], [1], [0, 0, 1, 1], [], []>, transpose_lhs_hint = false} : vector<512x128xf32>, vector<128x128xf32>, vector<512x128xf32> -> vector<512x128xf32>
    %get3A_8 = arith.constant 0 : index
    %get3A_9 = arith.constant 0 : index
    %get3A_10 = vector.load %arg4[%get3A_8, %get3A_9] : memref<1x128xf32, #tpu.memory_space<vmem>>, vector<1x128xf32>
    %get3A_11 = vector.shape_cast %get3A_10 : vector<1x128xf32> to vector<128xf32>
    %broadcast_in_dim3A = vector.shape_cast %get3A_11 : vector<128xf32> to vector<1x128xf32>
    %mul3A = vector.broadcast %broadcast_in_dim3A : vector<1x128xf32> to vector<512x128xf32>
    %mul3A_12 = arith.mulf %dot_general3A_7, %mul3A : vector<512x128xf32>
    %get3A_13 = arith.constant 0 : index
    %get3A_14 = arith.constant 0 : index
    %get3A_15 = vector.load %arg5[%get3A_13, %get3A_14] : memref<1x128xf32, #tpu.memory_space<vmem>>, vector<1x128xf32>
    %get3A_16 = vector.shape_cast %get3A_15 : vector<1x128xf32> to vector<128xf32>
    %broadcast_in_dim3A_17 = vector.shape_cast %get3A_16 : vector<128xf32> to vector<1x128xf32>
    %add3A = vector.broadcast %broadcast_in_dim3A_17 : vector<1x128xf32> to vector<512x128xf32>
    %add3A_18 = arith.addf %mul3A_12, %add3A : vector<512x128xf32>
    %max3A = arith.constant 0.000000e+00 : f32
    %max3A_19 = vector.broadcast %max3A : f32 to vector<512x128xf32>
    %max3A_20 = arith.maximumf %add3A_18, %max3A_19 : vector<512x128xf32>
    %get3A_21 = arith.constant 0 : index
    %get3A_22 = arith.constant 0 : index
    %get3A_23 = arith.constant 0 : index
    %get3A_24 = vector.load %arg6[%get3A_21, %get3A_22, %get3A_23] : memref<1x512x8xf32, #tpu.memory_space<vmem>>, vector<1x512x8xf32>
    %get3A_25 = vector.shape_cast %get3A_24 : vector<1x512x8xf32> to vector<512x8xf32>
    %slice3A = vector.extract_strided_slice %get3A_25 {offsets = [0, 0], sizes = [512, 1], strides = [1, 1]} : vector<512x8xf32> to vector<512x1xf32>
    %get3A_26 = arith.constant 0 : index
    %get3A_27 = arith.constant 0 : index
    %get3A_28 = arith.constant 0 : index
    %get3A_29 = arith.constant 0 : index
    %get3A_30 = vector.load %arg7[%get3A_26, %get3A_27, %get3A_28, %get3A_29] : memref<1x1x512x128xf32, #tpu.memory_space<vmem>>, vector<1x1x512x128xf32>
    %get3A_31 = vector.shape_cast %get3A_30 : vector<1x1x512x128xf32> to vector<512x128xf32>
    %mul3A_32 = vector.broadcast %slice3A : vector<512x1xf32> to vector<512x128xf32>
    %mul3A_33 = arith.mulf %mul3A_32, %get3A_31 : vector<512x128xf32>
    %add3A_34 = arith.addf %max3A_20, %mul3A_33 : vector<512x128xf32>
    %slice3A_35 = vector.extract_strided_slice %get3A_25 {offsets = [0, 1], sizes = [512, 1], strides = [1, 1]} : vector<512x8xf32> to vector<512x1xf32>
    %get3A_36 = arith.constant 0 : index
    %get3A_37 = arith.constant 0 : index
    %get3A_38 = arith.constant 0 : index
    %get3A_39 = arith.constant 0 : index
    %get3A_40 = vector.load %arg8[%get3A_36, %get3A_37, %get3A_38, %get3A_39] : memref<1x1x512x128xf32, #tpu.memory_space<vmem>>, vector<1x1x512x128xf32>
    %get3A_41 = vector.shape_cast %get3A_40 : vector<1x1x512x128xf32> to vector<512x128xf32>
    %mul3A_42 = vector.broadcast %slice3A_35 : vector<512x1xf32> to vector<512x128xf32>
    %mul3A_43 = arith.mulf %mul3A_42, %get3A_41 : vector<512x128xf32>
    %add3A_44 = arith.addf %add3A_34, %mul3A_43 : vector<512x128xf32>
    %slice3A_45 = vector.extract_strided_slice %get3A_25 {offsets = [0, 2], sizes = [512, 1], strides = [1, 1]} : vector<512x8xf32> to vector<512x1xf32>
    %get3A_46 = arith.constant 0 : index
    %get3A_47 = arith.constant 0 : index
    %get3A_48 = arith.constant 0 : index
    %get3A_49 = arith.constant 0 : index
    %get3A_50 = vector.load %arg9[%get3A_46, %get3A_47, %get3A_48, %get3A_49] : memref<1x1x512x128xf32, #tpu.memory_space<vmem>>, vector<1x1x512x128xf32>
    %get3A_51 = vector.shape_cast %get3A_50 : vector<1x1x512x128xf32> to vector<512x128xf32>
    %mul3A_52 = vector.broadcast %slice3A_45 : vector<512x1xf32> to vector<512x128xf32>
    %mul3A_53 = arith.mulf %mul3A_52, %get3A_51 : vector<512x128xf32>
    %add3A_54 = arith.addf %add3A_44, %mul3A_53 : vector<512x128xf32>
    %swap3A = arith.constant 0 : index
    %swap3A_55 = arith.constant 0 : index
    %swap3A_56 = arith.constant 0 : index
    %swap3A_57 = vector.load %arg11[%swap3A, %swap3A_55, %swap3A_56] : memref<1x512x128xf32, #tpu.memory_space<vmem>>, vector<1x512x128xf32>
    %swap3A_58 = vector.shape_cast %swap3A_57 : vector<1x512x128xf32> to vector<512x128xf32>
    %swap3A_59 = vector.shape_cast %add3A_54 : vector<512x128xf32> to vector<1x512x128xf32>
    tpu.vector_store %arg11[%swap3A, %swap3A_55, %swap3A_56], %swap3A_59 {strides = array<i32>} : memref<1x512x128xf32, #tpu.memory_space<vmem>>, vector<1x512x128xf32>,
    return
  }
  func.func @transform_0(%arg0: i32, %arg1: i32) -> (i32, i32, i32) {
    %add3A = arith.constant 4 : i32
    %add3A_0 = arith.addi %arg0, %add3A : i32
    %c0_i32 = arith.constant 0 : i32
    %c0_i32_1 = arith.constant 0 : i32
    return %add3A_0, %arg1, %c0_i32 : i32, i32, i32
  }
  func.func @transform_1(%arg0: i32, %arg1: i32) -> (i32, i32) {
    %c0_i32 = arith.constant 0 : i32
    %c0_i32_0 = arith.constant 0 : i32
    %c0_i32_1 = arith.constant 0 : i32
    return %c0_i32, %c0_i32_0 : i32, i32
  }
  func.func @transform_2(%arg0: i32, %arg1: i32) -> (i32, i32) {
    %c0_i32 = arith.constant 0 : i32
    %c0_i32_0 = arith.constant 0 : i32
    %c0_i32_1 = arith.constant 0 : i32
    return %c0_i32, %c0_i32_0 : i32, i32
  }
  func.func @transform_3(%arg0: i32, %arg1: i32) -> (i32, i32) {
    %c0_i32 = arith.constant 0 : i32
    %c0_i32_0 = arith.constant 0 : i32
    %c0_i32_1 = arith.constant 0 : i32
    return %c0_i32, %c0_i32_0 : i32, i32
  }
  func.func @transform_4(%arg0: i32, %arg1: i32) -> (i32, i32, i32) {
    %c0_i32 = arith.constant 0 : i32
    %c0_i32_0 = arith.constant 0 : i32
    return %arg0, %arg1, %c0_i32 : i32, i32, i32
  }
  func.func @transform_5(%arg0: i32, %arg1: i32) -> (i32, i32, i32, i32) {
    %c0_i32 = arith.constant 0 : i32
    %c0_i32_0 = arith.constant 0 : i32
    %c0_i32_1 = arith.constant 0 : i32
    return %c0_i32, %arg0, %arg1, %c0_i32_0 : i32, i32, i32, i32
  }
  func.func @transform_6(%arg0: i32, %arg1: i32) -> (i32, i32, i32, i32) {
    %c1_i32 = arith.constant 1 : i32
    %c0_i32 = arith.constant 0 : i32
    %c0_i32_0 = arith.constant 0 : i32
    return %c1_i32, %arg0, %arg1, %c0_i32 : i32, i32, i32, i32
  }
  func.func @transform_7(%arg0: i32, %arg1: i32) -> (i32, i32, i32, i32) {
    %c2_i32 = arith.constant 2 : i32
    %c0_i32 = arith.constant 0 : i32
    %c0_i32_0 = arith.constant 0 : i32
    return %c2_i32, %arg0, %arg1, %c0_i32 : i32, i32, i32, i32
  }
  func.func @transform_9(%arg0: i32, %arg1: i32) -> (i32, i32, i32) {
    %add3A = arith.constant 4 : i32
    %add3A_0 = arith.addi %arg0, %add3A : i32
    %c0_i32 = arith.constant 0 : i32
    %c0_i32_1 = arith.constant 0 : i32
    return %add3A_0, %arg1, %c0_i32 : i32, i32, i32
  }
}

</mosaic_0001>

<sc_bundles>
// kernel: kernel.11.cloned.1.call-start
scs
__scs_entry_jumppad:
0x0: {  	(pc) =	sbr.rel $0x88, $3  }
0x1: {  	(tag) =	ssettag $0x0;
	lr =	simm.s32 $0x1  }
0x2: {  	[smem:$0x3F91] =	sst lr;
	_ =	strace $0xD0000000  }
0x3: {  	_ = 	snop  }
0x4: {  	_ = 	snop  }
0x5: {  	_ = 	snop  }
0x6: {  	_ = 	snop  }
0x7: {  	_ = 	snop  }
__scs_overlays_trampoline_lowered:
0x8: {  	[smem:$0x3FA0] =	sst s0  }
0x9: {  	[smem:$0x3FA1] =	sst s1  }
0xa: {  	[smem:$0x3FA2] =	sst s2  }
0xb: {  	[smem:$0x3FA3] =	sst s3  }
0xc: {  	[smem:$0x3FA4] =	sst s4  }
0xd: {  	[smem:$0x3FA5] =	sst s5  }
0xe: {  	[smem:$0x3FA6] =	sst s6  }
0xf: {  	[smem:$0x3FA7] =	sst s7  }
0x10: {  	[smem:$0x3FA8] =	sst s8  }
0x11: {  	[smem:$0x3FA9] =	sst s9;
	s0 =	simm.s32 @!p0 $0x0  }
0x12: {  	s1 =	sld [smem:$0x3F8F];
	s0 =	simm.s32 @p0 $0x1  }
0x13: {  	[smem:$0x3FAA] =	sst s0;
	s0 =	simm.s32 @!p1 $0x0  }
0x14: {  	s2 =	sld [smem:$0x3F8E];
	s0 =	simm.s32 @p1 $0x1  }
0x15: {  	[smem:$0x3FAB] =	sst s0;
	s0 =	simm.s32 @!p2 $0x0  }
0x16: {  	s3 =	sld [smem:$0x3FDB];
	s0 =	simm.s32 @p2 $0x1  }
0x17: {  	s4 =	simm.s32 $0x1BF5;
	[smem:$0x3FAD] =	sst s0  }
0x18: {  	s0 =	sld [smem:$0x3F90];
	_ =	swait.ge [sflag:s4], $0x0  }
0x19: {  	s7 =	sld [smem:$0x3F91]  }
0x1a: {  	s8 =	sadd.s32 $0xFFFFE003, lr  }
0x1b: {  	s9 =	sadd.s32 $0xFFFFFEF7, lr;
	s5 =	simm.s32 $0xFFFFFFFF;
	p2 =	slt.u32 s8, $0xFFFFF086  }
0x1c: {  	p1 =	slt.u32 s9, $0xF7A;
	s5 =	simm.s32 @!p2 $0x0  }
0x1d: {  	s5 =	simm.s32 @p1 $0x1;
	p0 =	seq.s32 s7, s2  }
0x1e: {  	s7 =	smul.u32 @!p0 $0xF7A, s2;
	p2 =	seq.s32 @!p0 s5, $0x0  }
0x1f: {  	s9 =	smul.u32 $0xF7A, s1;
	s8 =	simm.s32 @!p0 $0x1BF5;
	p2 =	por !p2, p0  }
0x20: {  	[sflag:s8] =	ssyncset.s32 @!p0 $0xFFFFF086;
	s6 =	sadd.s32 @!p0 s3, s7;
	s7 =	simm.s32 @!p0 $0x108  }
0x21: {  	s3 =	sadd.s32 s3, s9;
	s6 =	sadd.s32 @!p0 $0x88, s6;
	s7 =	simm.s32 @p2 $0x1082  }
0x22: {  	[simem:s7], [sflag:s8] =	dma.local @!p0 [hbm:s6], $0xF7A  }
0x23: {  	s9 =	sor.u32 $0xD0000000, s2;
	s6 =	simm.s32 $0x108;
	_ =	swait.ge @!p0 [sflag:s8], $0x0  }
0x24: {  	s3 =	sadd.s32 $0x88, s3;
	s6 =	simm.s32 @!p1 $0x1082;
	[sflag:s4] =	ssyncset.s32 $0xFFFFF086  }
0x25: {  	[simem:s6], [sflag:s4] =	dma.local [hbm:s3], $0xF7A  }
0x26: {  	[smem:$0x3F91] =	sst s1;
	(tag) =	ssettag s2;
	_ =	strace s9  }
0x27: {  	s1 =	sld [smem:$0x3FA1]  }
0x28: {  	s2 =	sld [smem:$0x3FA2]  }
0x29: {  	s4 =	sld [smem:$0x3FA4]  }
0x2a: {  	p0 =	seq.s32 s5, $0x0;
	s5 =	sld [smem:$0x3FA5]  }
0x2b: {  	s6 =	sld [smem:$0x3FA6]  }
0x2c: {  	s7 =	sld [smem:$0x3FA7]  }
0x2d: {  	s3 =	simm.s32 $0x108;
	s8 =	sld [smem:$0x3FA8]  }
0x2e: {  	s3 =	simm.s32 @!p0 $0x1082;
	s9 =	sld [smem:$0x3FA9]  }
0x2f: {  	lr =	sadd.s32 s0, s3;
	s0 =	sld [smem:$0x3FA0]  }
0x30: {  	s3 =	sld [smem:$0x3FA3]  }
0x31: {  	[smem:$0x3FAC] =	sst s10  }
0x32: {  	s10 =	sld [smem:$0x3FAA];
	_ =	sdelay $0x3  }
0x33: {  	p0 =	seq.s32 s10, $0x1;
	s10 =	sld [smem:$0x3FAC];
	_ =	sdelay $0x3  }
0x34: {  	[smem:$0x3FAC] =	sst s10  }
0x35: {  	s10 =	sld [smem:$0x3FAB];
	_ =	sdelay $0x3  }
0x36: {  	p1 =	seq.s32 s10, $0x1;
	s10 =	sld [smem:$0x3FAC];
	_ =	sdelay $0x3  }
0x37: {  	[smem:$0x3FAC] =	sst s10  }
0x38: {  	s10 =	sld [smem:$0x3FAD]  }
0x39: {  	_ = 	snop;
	(pc) =	sbr.ind lr, $3  }
0x3a: {  	_ = 	snop  }
0x3b: {  	_ = 	snop  }
0x3c: {  	p2 =	seq.s32 s10, $0x1;
	s10 =	sld [smem:$0x3FAC]  }
0x3d: {  	_ =	shalt  }
0x3e: {  	_ =	shalt  }
0x3f: {  	_ =	shalt  }
0x40: {  	_ =	shalt  }
0x41: {  	_ =	shalt  }
0x42: {  	_ =	shalt  }
0x43: {  	_ =	shalt  }
0x44: {  	_ =	shalt  }
0x45: {  	_ =	shalt  }
0x46: {  	_ =	shalt  }
0x47: {  	_ =	shalt  }
0x48: {  	_ =	shalt  }
0x49: {  	_ =	shalt  }
0x4a: {  	_ =	shalt  }
0x4b: {  	_ =	shalt  }
0x4c: {  	_ =	shalt  }
0x4d: {  	_ =	shalt  }
0x4e: {  	_ =	shalt  }
0x4f: {  	_ =	shalt  }
0x50: {  	_ =	shalt  }
0x51: {  	_ =	shalt  }
0x52: {  	_ =	shalt  }
0x53: {  	_ =	shalt  }
0x54: {  	_ =	shalt  }
0x55: {  	_ =	shalt  }
0x56: {  	_ =	shalt  }
0x57: {  	_ =	shalt  }
0x58: {  	_ =	shalt  }
0x59: {  	_ =	shalt  }
0x5a: {  	_ =	shalt  }
0x5b: {  	_ =	shalt  }
0x5c: {  	_ =	shalt  }
0x5d: {  	_ =	shalt  }
0x5e: {  	_ =	shalt  }
0x5f: {  	_ =	shalt  }
0x60: {  	_ =	shalt  }
0x61: {  	_ =	shalt  }
0x62: {  	_ =	shalt  }
0x63: {  	_ =	shalt  }
0x64: {  	_ =	shalt  }
0x65: {  	_ =	shalt  }
0x66: {  	_ =	shalt  }
0x67: {  	_ =	shalt  }
0x68: {  	_ =	shalt  }
0x69: {  	_ =	shalt  }
0x6a: {  	_ =	shalt  }
0x6b: {  	_ =	shalt  }
0x6c: {  	_ =	shalt  }
0x6d: {  	_ =	shalt  }
0x6e: {  	_ =	shalt  }
0x6f: {  	_ =	shalt  }
0x70: {  	_ =	shalt  }
0x71: {  	_ =	shalt  }
0x72: {  	_ =	shalt  }
0x73: {  	_ =	shalt  }
0x74: {  	_ =	shalt  }
0x75: {  	_ =	shalt  }
0x76: {  	_ =	shalt  }
0x77: {  	_ =	shalt  }
0x78: {  	_ =	shalt  }
0x79: {  	_ =	shalt  }
0x7a: {  	_ =	shalt  }
0x7b: {  	_ =	shalt  }
0x7c: {  	_ =	shalt  }
0x7d: {  	_ =	shalt  }
0x7e: {  	_ =	shalt  }
0x7f: {  	_ =	shalt  }
0x80: {  	_ =	shalt  }
0x81: {  	_ =	shalt  }
0x82: {  	_ =	shalt  }
0x83: {  	_ =	shalt  }
0x84: {  	_ =	shalt  }
0x85: {  	_ =	shalt  }
0x86: {  	_ =	shalt  }
0x87: {  	_ =	shalt  }
.Lfunc_end0:
.L_simem_size_0:
called_computation.1_lowered:
.L_overlay_start_0:
0x88: {  	s2 =	sld [smem:$0x3FD9]  }
0x89: {  	s3 =	sld [smem:$0x3FFE];
	_ =	sdelay $0x1  }
0x8a: {  	s1 =	srdreg.scid  }
0x8b: {  	s0 =	sand.u32 $0x1, s1  }
0x8c: {  	s17 =	sshll.u32 s0, $0xA;
	s2 =	sadd.s32 s3, s2  }
0x8d: {  	s2 =	sadd.s32 s2, s17  }
0x8e: {  	[smem:$0x3FB8] =	sst s2  }
0x8f: {  	_ = 	snop  }
0x90: {  	(tm) =	ssettm $0x1  }
0x91: {  	s18 =	sld [smem:$0x3FFB];
	_ =	sdelay $0x3  }
0x92: {  	_ =	strace s18  }
0x93: {  	s2 =	sld [smem:$0x3FFC];
	_ =	sdelay $0x3  }
0x94: {  	_ =	strace s2  }
0x95: {  	s2 =	sld [smem:$0x3FFD];
	_ =	sdelay $0x3  }
0x96: {  	_ =	strace s2  }
0x97: {  	_ =	strace $0x8FFFFFFF  }
0x98: {  	s19 =	sld [smem:$0x3FDB];
	_ =	sdelay $0x1  }
0x99: {  	s20 =	simm.s32 $_scs_section_size  }
0x9a: {  	s4 =	simm.s32 $_size__tile_overlayer_lowered;
	s5 =	simm.s32 $_tile_overlayer_lowered  }
0x9b: {  	s6 =	simm.s32 $0x1BFF;
	s21 =	sshll.u32 s5, $0x1;
	s3 =	sadd.s32 s20, s19  }
0x9c: {  	s22 =	simm.s32 $0x0;
	s4 =	sshll.u32 s4, $0x1;
	s5 =	sadd.s32 s21, s3  }
0x9d: {  	[timem:s22], [sflag:s6] =	dma.local [hbm:s5], s4  }
0x9e: {  	_ =	swait.ge [sflag:s6], s4  }
0x9f: {  	s4 =	ssub.s32 $0x0, s4;
	[sflag:s6] =	ssyncset.done $0x0  }
0xa0: {  	[sflag:s6] =	ssyncadd.s32 s4;
	_ =	sdelay $0x1  }
0xa1: {  	s23 =	simm.s32 $0x1B8B  }
0xa2: {  	_ =	swait.ge [sflag:s23], $0x1  }
0xa3: {  	[sflag:s23] =	ssyncset.done $0x0  }
0xa4: {  	[sflag:s23] =	ssyncadd.s32 $0xFFFFFFFF  }
0xa5: {  	s4 =	sld [smem:$0x0]  }
0xa6: {  	s5 =	sand.u32 $0xFFFFFFFE, s1  }
0xa7: {  	p0 =	sne.s32 s1, s5  }
0xa8: {  	s5 =	sshll.u32 @p0 s5, $0xE  }
0xa9: {  	s5 =	sadd.s32 @p0 $0x11B8D, s5;
	s6 =	sshll.u32 @p0 s4, $0x11  }
0xaa: {  	s5 =	sor.u32 @p0 s6, s5  }
0xab: {  	[sflag:s5] =	ssyncadd.remote.s32 @p0 $0x1;
	_ =	sdelay $0x1  }
0xac: {  	s5 =	simm.s32 @p0 $0x1B8D  }
0xad: {  	_ =	swait.eq @p0 [sflag:s5], $0x1  }
0xae: {  	[sflag:s5] =	ssyncadd.s32 @p0 $0xFFFFFFFF  }
0xaf: {  	s6 =	sshll.u32 @!p0 s1, $0xE  }
0xb0: {  	s6 =	sor.u32 @!p0 $0x4000, s6;
	s5 =	simm.s32 @!p0 $0x1B8D  }
0xb1: {  	s4 =	sshll.u32 @!p0 s4, $0x11;
	s6 =	sadd.s32 @!p0 $0x11B8D, s6;
	_ =	swait.eq @!p0 [sflag:s5], $0x1  }
0xb2: {  	s4 =	sor.u32 @!p0 s4, s6;
	[sflag:s5] =	ssyncadd.s32 @!p0 $0xFFFFFFFF  }
0xb3: {  	s25 =	simm.s32 $0x1B8E;
	s24 =	sld [smem:$0x3FFE];
	[sflag:s4] =	ssyncadd.remote.s32 @!p0 $0x1  }
0xb4: {  	s26 =	simm.s32 $execute0_lowered;
	[smem:$0x3FD2] =	sst s25  }
0xb5: {  	s5 =	sshll.u32 s26, $0x1;
	_ =	strace $0x80000050;
	[dreg:$0x1] =	wrdreg $0xFFFFFFFF  }
0xb6: {  	s28 =	simm.s32 $_size_execute0_lowered;
	s3 =	sadd.s32 s3, s5;
	[dreg:$0x0] =	wrdreg $0x0  }
0xb7: {  	s5 =	sshll.u32 s28, $0x1;
	[dreg:$0x2] =	wrdreg s3  }
0xb8: {  	[dreg:$0x3] =	wrdreg s5  }
0xb9: {  	[dreg:$0x4] =	wrdreg $0xC0  }
0xba: {  	_ =	task [dreg:s22], $0x5FFFF  }
0xbb: {  	[dreg:$0x1] =	wrdreg $0xFFFFFFFF  }
0xbc: {  	[dreg:$0x0] =	wrdreg $0x60  }
0xbd: {  	[dreg:$0x2] =	wrdreg s24  }
0xbe: {  	[dreg:$0x3] =	wrdreg $0xA  }
0xbf: {  	_ =	task.clear_ibuf [dreg:s22], $0x4FFFF;
	_ =	strace $0x90000050  }
0xc0: {  	s29 =	simm.s32 $0xA;
	_ =	strace $0x80000059  }
0xc1: {  	_ =	swait.ge [sflag:s29], $0x1  }
0xc2: {  	[sflag:s29] =	ssyncadd.s32 $0xFFFFFFFF  }
0xc3: {  	_ =	strace $0x90000059  }
0xc4: {  	_ =	sfence  }
0xc5: {  	s30 =	sld [smem:$0x0];
	_ =	sdelay $0x2  }
0xc6: {  	s31 =	sshll.u32 s1, $0xD;
	s1 =	sshrl.u32 s1, $0x2  }
0xc7: {  	s4 =	sand.u32 $0x4000, s31;
	s1 =	sadd.s32 s1, s30  }
0xc8: {  	s0 =	sor.u32 s4, s0;
	s1 =	sshll.u32 s1, $0x11  }
0xc9: {  	s0 =	sor.u32 s1, s0  }
0xca: {  	s0 =	sadd.s32 $0x8F2B, s0  }
0xcb: {  	[sflag:s0] =	ssyncadd.remote.s32 $0x1  }
0xcc: {  	_ =	sfence.sel $0xFFFF  }
0xcd: {  	[dreg:$0x0] =	wrdreg $0xFFFFFFFF;
	(pc) =	sbr.abs _section_cstart, $3  }
0xce: {  	[dreg:$0x1] =	wrdreg $0xFFFFFFFF  }
0xcf: {  	_ =	task.clear_ibuf [dreg:s22], $0x2FFFF;
	_ =	strace $0x9FFFFFFF  }
0xd0: {  	(tm) =	ssettm $0x7FFFFFFF  }
0xd1: {  	_ =	shalt  }
tec
execute0_lowered:
.L_overlay_start_1:
0x0: {  	(tag) =	ssettag $0x1  }
0x1: {  	s3 =	rddreg [dreg:$0x0]  }
0x2: {  	s0 =	rddreg [dreg:$0x1];
	s1 =	simm.s32 $0x0;
	s2 =	srdreg.scid  }
0x3: {  	s31 =	simm.s32 $0x80;
	s9 =	simm.s32 $0x4;
	s10 =	simm.s32 $0x0  }
0x4: {  	[smem:$0x7FF] =	sst s1;
	s4 =	sand.u32 $0x1, s2;
	s5 =	sadd.s32 $0xD3A00, s3  }
0x5: {  	s2 =	stileid.u32;
	s29 =	sadd.s32 $0xE5200, s3;
	s3 =	sadd.s32 $0xE3A00, s3  }
0x6: {  	_ =	strace $0x80000051;
	s6 =	sshll.u32 s4, $0x4;
	[dreg:$0x2] =	wrdreg s5  }
0x7: {  	s4 =	ssub.s32 $0x2, s4;
	[dreg:$0x4] =	wrdreg s29;
	s28 =	sor.u32 s2, s6  }
0x8: {  	[dreg:$0x3] =	wrdreg s31;
	s7 =	sshrl.u32 s4, $0x1;
	s8 =	smul.u32 $0xC0, s28  }
0x9: {  	s30 =	ssub.s32 s4, s7;
	s4 =	smul.u32 $0xC, s28;
	s7 =	simm.s32 $0x1  }
0xa: {  	s6 =	smax.u32 s30, $0x1;
	s5 =	sadd.s32 s3, s8;
	s8 =	simm.s32 $0x5  }
.LBB2_1:
0xb: {  	_ =	strace $0x80000052;
	s11 =	simm.s32 $0x1;
	p0 =	por $0x0, $0x0  }
0xc: {  	[tilespmem:s1], [sflag:$0x1] =	stream.linear.gather [hbm4b:s5+s1], $0x80, $0x200038;
	[tilespmem:$0x8100] =	vst v63  }
0xd: {  	s11 =	simm.s32 @p0 $0x0  }
0xe: {  	p4 =	por $0x1, $0x1;
	s20 =	sand.u32 $0x1, s1;
	p1 =	sne.s32 s11, $0x0  }
0xf: {  	p2 =	por $0x1, $0x1;
	s18 =	simm.s32 $0xA;
	p0 =	por !p4, !p1  }
0x10: {  	s16 =	simm.s32 $0x0;
	p5 =	por $0x0, $0x0;
	p0 =	por !p0, !p0  }
0x11: {  	s23 =	sadd.s32 $0x0, s4;
	s30 =	sadd.s32 $0x1, s20;
	s12 =	sadd.s32 @p0 s4, s11  }
0x12: {  	_ =	strace $0x90000052;
	s13 =	sand.u32 @p0 $0x1, s7;
	s12 =	sshll.u32 @p0 s12, $0x4  }
0x13: {  	_ =	strace @p0 $0x80000053;
	s15 =	simm.s32 @p0 $0x0;
	s12 =	sand.u32 @p0 $0x1FFFFFF0, s12  }
0x14: {  	s14 =	sshll.u32 @p0 s13, $0x7;
	s13 =	sadd.s32 @p0 $0x1, s13;
	s12 =	sadd.s32 @p0 s3, s12  }
0x15: {  	[tilespmem:s14], [sflag:s13] =	stream.linear.gather @p0 [hbm4b:s12+s15], $0x80, $0x200038;
	[tilespmem:$0x8100] =	vst v63  }
0x16: {  	p3 =	por p2, p2;
	s21 =	sshll.u32 s20, $0xE;
	_ =	strace @p0 $0x90000053  }
0x17: {  	s16 =	sand.u32 $0x80, s16;
	p2 =	por p5, p5;
	_ =	strace $0x80000054  }
0x18: {  	s17 =	sadd.s32 $0x1, s11;
	s22 =	sor.u32 $0x100, s21;
	_ =	swait.ge [sflag:s30], $0x80  }
0x19: {  	s21 =	simm.s32 $0x1;
	p6 =	por p1, p1;
	[sflag:s30] =	ssyncset.done $0x0  }
0x1a: {  	p1 =	por p3, p3;
	p4 =	por $0x1, $0x1;
	[sflag:s30] =	ssyncadd.s32 $0xFFFFFF80  }
0x1b: {  	s12 =	simm.s32 $0xB;
	s15 =	sand.u32 @!p3 $0x1, s1;
	_ =	strace $0x90000054  }
0x1c: {  	s13 =	simm.s32 $0x1;
	p3 =	seq.s32 s17, $0xC;
	_ =	strace $0x80000055  }
0x1d: {  	s13 =	simm.s32 @!p0 $0x0;
	s17 =	simm.s32 @p3 $0x0;
	s19 =	rddreg [dreg:$0x3]  }
0x1e: {  	p0 =	por $0x0, $0x0;
	s14 =	sadd.s32 $0x1, s13;
	s31 =	rddreg [dreg:$0x2]  }
0x1f: {  	[tilespmem:s22], [sflag:$0x5] =	stream.indirect.gather [hbm4b:s31+s19], $0x80, s16, s19, $0x2000b8;
	[tilespmem:$0x8100] =	vst v63  }
0x20: {  	p3 =	sne.s32 s11, s17;
	s21 =	simm.s32 @!p0 $0x0;
	_ =	swait.ge [sflag:s8], $0x4000  }
0x21: {  	p5 =	por !p4, !p3;
	p4 =	por $0x0, $0x0;
	[sflag:s8] =	ssyncset.done $0x0  }
0x22: {  	s13 =	simm.s32 $0x0;
	p6 =	por p4, p6;
	[sflag:s8] =	ssyncadd.s32 $0xFFFFC000  }
0x23: {  	s16 =	simm.s32 $0x0;
	s19 =	simm.s32 $0x0;
	_ =	strace $0x90000055  }
.LBB2_2:
0x24: {  	_ =	strace @p6 $0x80000056;
	s13 =	sadd.s32 s21, s13;
	s21 =	smov.u32 s12  }
0x25: {  	s12 =	smov.u32 s18;
	s18 =	sadd.s32 $0xFFFFFFFF, s18;
	p0 =	por p3, p3  }
0x26: {  	s28 =	sshll.u32 @p6 s23, $0xB;
	s20 =	sadd.s32 @p6 $0x3, s20;
	s24 =	simm.s32 @!p0 $0x0  }
0x27: {  	s25 =	rddreg [dreg:$0x4];
	s28 =	sand.u32 @p6 $0x1FFFF800, s28;
	s24 =	simm.s32 @p0 $0x1  }
0x28: {  	s25 =	sadd.s32 @p6 s25, s28;
	s28 =	simm.s32 @p6 $0x0;
	p0 =	sne.s32 s18, $0x0  }
0x29: {  	[hbm4b:s25+s28] =	stream.linear.scatter @p6 [tilespmem:s22], [sflag:s20], $0x4000, $0x200038;
	[tilespmem:$0x8100] =	vst v63  }
0x2a: {  	s20 =	sadd.s32 @!p1 $0x3, s15;
	s15 =	simm.s32 @!p0 $0x0  }
0x2b: {  	s26 =	simm.s32 $0x1;
	[smem:$0x7FC] =	sst s24;
	s15 =	simm.s32 @p0 $0x1  }
0x2c: {  	s26 =	simm.s32 @!p6 $0x0;
	_ =	strace @p6 $0x90000056;
	[smem:$0x7FD] =	sst s15  }
0x2d: {  	p5 =	por !p5, !p5;
	s19 =	sadd.s32 s26, s19;
	_ =	strace @!p1 $0x80000057  }
0x2e: {  	s24 =	sand.u32 @!p2 $0x1, s13;
	s22 =	sand.u32 @p5 $0x1, s14;
	_ =	swait.ge @!p1 [sflag:s20], $0x4000  }
0x2f: {  	s15 =	smov.u32 s24;
	s24 =	sadd.s32 @p5 s4, s17;
	[sflag:s20] =	ssyncset.done @!p1 $0x0  }
0x30: {  	s25 =	sshll.u32 @p5 s22, $0x7;
	s24 =	sshll.u32 @p5 s24, $0x4;
	[sflag:s20] =	ssyncadd.s32 @!p1 $0xFFFFC000  }
0x31: {  	s20 =	sadd.s32 @p5 $0x1, s22;
	s22 =	sand.u32 @p5 $0x1FFFFFF0, s24;
	_ =	strace @!p1 $0x90000057  }
0x32: {  	s24 =	simm.s32 @p5 $0x0;
	s22 =	sadd.s32 @p5 s3, s22;
	_ =	strace @p5 $0x80000053  }
0x33: {  	[tilespmem:s25], [sflag:s20] =	stream.linear.gather @p5 [hbm4b:s22+s24], $0x80, $0x200038;
	[tilespmem:$0x8100] =	vst v63  }
0x34: {  	s16 =	sadd.s32 s26, s16;
	s26 =	sand.u32 $0x1, s19;
	_ =	strace @p5 $0x90000053  }
0x35: {  	s24 =	sadd.s32 $0x1, s26;
	_ =	strace $0x80000054  }
0x36: {  	_ =	swait.ge [sflag:s24], $0x80  }
0x37: {  	[sflag:s24] =	ssyncset.done $0x0  }
0x38: {  	s20 =	simm.s32 $0x1;
	[sflag:s24] =	ssyncadd.s32 $0xFFFFFF80  }
0x39: {  	s20 =	simm.s32 @!p5 $0x0;
	_ =	strace $0x90000054  }
0x3a: {  	s14 =	sadd.s32 s20, s14;
	s20 =	sand.u32 $0x1, s16;
	_ =	strace $0x80000055  }
0x3b: {  	s29 =	sshll.u32 s19, $0x7;
	s25 =	sshll.u32 s20, $0xE;
	s26 =	rddreg [dreg:$0x3]  }
0x3c: {  	s29 =	sand.u32 $0x80, s29;
	s22 =	sor.u32 $0x100, s25;
	s30 =	rddreg [dreg:$0x2]  }
0x3d: {  	[tilespmem:s22], [sflag:$0x5] =	stream.indirect.gather [hbm4b:s30+s26], $0x80, s29, s26, $0x2000b8;
	[tilespmem:$0x8100] =	vst v63  }
0x3e: {  	_ =	swait.ge [sflag:s8], $0x4000  }
0x3f: {  	s31 =	sadd.s32 $0x1, s17;
	[sflag:s8] =	ssyncset.done $0x0  }
0x40: {  	s23 =	sadd.s32 s4, s11;
	s11 =	smov.u32 s17;
	[sflag:s8] =	ssyncadd.s32 $0xFFFFC000  }
0x41: {  	p3 =	seq.s32 s31, $0xC;
	s17 =	smov.u32 s31;
	_ =	strace $0x90000055  }
0x42: {  	s17 =	simm.s32 @p3 $0x0;
	s31 =	sld [smem:$0x7FD]  }
0x43: {  	p6 =	sne.s32 s12, $0x1;
	p0 =	sne.s32 s21, $0xC;
	p3 =	sne.s32 s11, s17  }
0x44: {  	p5 =	por !p6, !p3;
	p6 =	seq.s32 s21, $0x1;
	s21 =	simm.s32 $0x1  }
0x45: {  	s21 =	simm.s32 @!p0 $0x0;
	p0 =	seq.s32 s31, $0x1  }
.Ltmp0:
0x46: {  	s30 =	sld [smem:$0x7FC];
	(pc) =	sbr.rel @p0 .LBB2_2-.Ltmp0, $4  }
0x47: {  	_ = 	snop  }
0x48: {  	p4 =	seq.s32 s12, $0xC  }
0x49: {  	p1 =	por p2, p2;
	p2 =	por p4, p4;
	p4 =	seq.s32 s30, $0x1  }
0x4a: {  	p6 =	por p6, p4  }
0x4b: {  	_ =	strace @p6 $0x80000056;
	s23 =	sshll.u32 @p6 s23, $0xB  }
0x4c: {  	s18 =	rddreg [dreg:$0x4];
	s23 =	sand.u32 @p6 $0x1FFFF800, s23  }
0x4d: {  	s20 =	sadd.s32 @p6 $0x3, s20;
	s18 =	sadd.s32 @p6 s18, s23;
	s23 =	simm.s32 @p6 $0x0  }
0x4e: {  	[hbm4b:s18+s23] =	stream.linear.scatter @p6 [tilespmem:s22], [sflag:s20], $0x4000, $0x200038;
	[tilespmem:$0x8100] =	vst v63  }
0x4f: {  	p0 =	por !p5, !p5;
	_ =	strace @p6 $0x90000056  }
0x50: {  	s15 =	sadd.s32 @!p1 $0x3, s15;
	s17 =	sadd.s32 @p0 s4, s17;
	_ =	strace @!p1 $0x80000057  }
0x51: {  	s14 =	sand.u32 @p0 $0x1, s14;
	s17 =	sshll.u32 @p0 s17, $0x4;
	_ =	swait.ge @!p1 [sflag:s15], $0x4000  }
0x52: {  	s18 =	simm.s32 $0x1;
	s20 =	sshll.u32 @p0 s14, $0x7;
	[sflag:s15] =	ssyncset.done @!p1 $0x0  }
0x53: {  	s14 =	sadd.s32 @p0 $0x1, s14;
	s18 =	simm.s32 @!p6 $0x0;
	[sflag:s15] =	ssyncadd.s32 @!p1 $0xFFFFC000  }
0x54: {  	s19 =	sadd.s32 s18, s19;
	s15 =	sand.u32 @p0 $0x1FFFFFF0, s17;
	_ =	strace @!p1 $0x90000057  }
0x55: {  	s17 =	simm.s32 @p0 $0x0;
	s15 =	sadd.s32 @p0 s3, s15;
	_ =	strace @p0 $0x80000053  }
0x56: {  	[tilespmem:s20], [sflag:s14] =	stream.linear.gather @p0 [hbm4b:s15+s17], $0x80, $0x200038;
	[tilespmem:$0x8100] =	vst v63  }
0x57: {  	s25 =	sand.u32 $0x1, s19;
	_ =	strace @p0 $0x90000053  }
0x58: {  	s14 =	sadd.s32 $0x1, s25;
	_ =	strace $0x80000054  }
0x59: {  	_ =	swait.ge [sflag:s14], $0x80  }
0x5a: {  	[sflag:s14] =	ssyncset.done $0x0  }
0x5b: {  	[sflag:s14] =	ssyncadd.s32 $0xFFFFFF80  }
0x5c: {  	s26 =	sadd.s32 s18, s16;
	_ =	strace $0x90000054  }
0x5d: {  	s14 =	sand.u32 $0x1, s26;
	_ =	strace $0x80000055  }
0x5e: {  	s30 =	sshll.u32 s19, $0x7;
	s31 =	sshll.u32 s14, $0xE;
	s28 =	rddreg [dreg:$0x3]  }
0x5f: {  	s17 =	sand.u32 $0x80, s30;
	s18 =	sor.u32 $0x100, s31;
	s29 =	rddreg [dreg:$0x2]  }
0x60: {  	[tilespmem:s18], [sflag:$0x5] =	stream.indirect.gather [hbm4b:s29+s28], $0x80, s17, s28, $0x2000b8;
	[tilespmem:$0x8100] =	vst v63  }
0x61: {  	_ =	swait.ge [sflag:s8], $0x4000  }
0x62: {  	[sflag:s8] =	ssyncset.done $0x0  }
0x63: {  	p5 =	por p3, p3;
	p6 =	seq.s32 s12, $0x1;
	[sflag:s8] =	ssyncadd.s32 $0xFFFFC000  }
0x64: {  	s11 =	sadd.s32 s4, s11;
	p0 =	por p6, p5;
	_ =	strace $0x90000055  }
0x65: {  	s11 =	sshll.u32 @p0 s11, $0xB;
	_ =	strace @p0 $0x80000056  }
0x66: {  	s13 =	sadd.s32 s21, s13;
	s11 =	sand.u32 @p0 $0x1FFFF800, s11;
	s12 =	rddreg [dreg:$0x4]  }
0x67: {  	s14 =	sadd.s32 @p0 $0x3, s14;
	s11 =	sadd.s32 @p0 s12, s11;
	s12 =	simm.s32 @p0 $0x0  }
0x68: {  	[hbm4b:s11+s12] =	stream.linear.scatter @p0 [tilespmem:s18], [sflag:s14], $0x4000, $0x200038;
	[tilespmem:$0x8100] =	vst v63  }
0x69: {  	p1 =	por p2, p2;
	s11 =	sand.u32 @!p2 $0x1, s13;
	_ =	strace @p0 $0x90000056  }
0x6a: {  	s11 =	sadd.s32 @!p1 $0x3, s11;
	_ =	strace @!p1 $0x80000057  }
0x6b: {  	_ =	swait.ge @!p1 [sflag:s11], $0x4000  }
0x6c: {  	[sflag:s11] =	ssyncset.done @!p1 $0x0  }
0x6d: {  	s10 =	sadd.s32 $0x1, s10;
	[sflag:s11] =	ssyncadd.s32 @!p1 $0xFFFFC000  }
0x6e: {  	p0 =	sne.s32 s10, s6;
	_ =	strace @!p1 $0x90000057  }
.Ltmp1:
0x6f: {  	_ =	strace $0x80000058;
	(pc) =	sbr.rel @p0 .LBB2_1-.Ltmp1, $4  }
0x70: {  	_ =	swait.ge [sflag:s9], $0x4000  }
0x71: {  	[sflag:s9] =	ssyncset.done $0x0  }
0x72: {  	[sflag:s9] =	ssyncadd.s32 $0xFFFFC000  }
0x73: {  	_ =	strace $0x90000058  }
0x74: {  	_ =	sfence.sel $0x180000  }
0x75: {  	[bflag:$0x0] =	sbarrier.arrive $0xFFFF  }
0x76: {  	p0 =	sne.s32 s2, $0x0;
	_ =	strace $0x90000051  }
0x77: {  	s0 =	sadd.s32 @!p0 $0x100000, s0;
	[bflag:$0x2] =	sbarrier.arrive $0xFFFF  }
0x78: {  	[sflag:s0] =	ssyncadd.tile.s32 @!p0 $0x1;
	_ =	shalt  }
.Lfunc_end2:
_tile_overlayer_lowered:
.L_overlay_start_2:
0x79: {  	(tag) =	ssettag $0x2  }
0x7a: {  	s0 =	rddreg [dreg:$0x0];
	s2 =	stileid.u32  }
0x7b: {  	s1 =	rddreg [dreg:$0x1];
	p0 =	sne.s32 s2, $0x0  }
0x7c: {  	s3 =	rddreg [dreg:$0x2];
	[bflag:$0x3] =	sbarrier.arrive $0xFFFF;
	s2 =	simm.s32 @!p0 $0x1C01  }
0x7d: {  	[timem:s3], [sflag:s2] =	dma.local @!p0 [hbm:s0], s1  }
0x7e: {  	s0 =	simm.s32 @!p0 $0x1  }
0x7f: {  	_ =	swait.ge @!p0 [sflag:s0], s1  }
0x80: {  	s1 =	ssub.s32 @!p0 $0x0, s1;
	[sflag:s0] =	ssyncset.done @!p0 $0x0  }
0x81: {  	[sflag:s0] =	ssyncadd.s32 @!p0 s1  }
0x82: {  	[bflag:$0x3] =	sbarrier.arrive $0xFFFF  }
0x83: {  	_ =	shalt  }

// kernel: kernel.8.cloned.1.call-start
scs
__scs_entry_jumppad:
0x0: {  	(pc) =	sbr.rel $0x88, $3  }
0x1: {  	(tag) =	ssettag $0x0;
	lr =	simm.s32 $0x1  }
0x2: {  	[smem:$0x3F91] =	sst lr;
	_ =	strace $0xD0000000  }
0x3: {  	_ = 	snop  }
0x4: {  	_ = 	snop  }
0x5: {  	_ = 	snop  }
0x6: {  	_ = 	snop  }
0x7: {  	_ = 	snop  }
__scs_overlays_trampoline_lowered:
0x8: {  	[smem:$0x3FA0] =	sst s0  }
0x9: {  	[smem:$0x3FA1] =	sst s1  }
0xa: {  	[smem:$0x3FA2] =	sst s2  }
0xb: {  	[smem:$0x3FA3] =	sst s3  }
0xc: {  	[smem:$0x3FA4] =	sst s4  }
0xd: {  	[smem:$0x3FA5] =	sst s5  }
0xe: {  	[smem:$0x3FA6] =	sst s6  }
0xf: {  	[smem:$0x3FA7] =	sst s7  }
0x10: {  	[smem:$0x3FA8] =	sst s8  }
0x11: {  	[smem:$0x3FA9] =	sst s9;
	s0 =	simm.s32 @!p0 $0x0  }
0x12: {  	s1 =	sld [smem:$0x3F8F];
	s0 =	simm.s32 @p0 $0x1  }
0x13: {  	[smem:$0x3FAA] =	sst s0;
	s0 =	simm.s32 @!p1 $0x0  }
0x14: {  	s2 =	sld [smem:$0x3F8E];
	s0 =	simm.s32 @p1 $0x1  }
0x15: {  	[smem:$0x3FAB] =	sst s0;
	s0 =	simm.s32 @!p2 $0x0  }
0x16: {  	s3 =	sld [smem:$0x3FDB];
	s0 =	simm.s32 @p2 $0x1  }
0x17: {  	s4 =	simm.s32 $0x1BF5;
	[smem:$0x3FAD] =	sst s0  }
0x18: {  	s0 =	sld [smem:$0x3F90];
	_ =	swait.ge [sflag:s4], $0x0  }
0x19: {  	s7 =	sld [smem:$0x3F91]  }
0x1a: {  	s8 =	sadd.s32 $0xFFFFE003, lr  }
0x1b: {  	s9 =	sadd.s32 $0xFFFFFEF7, lr;
	s5 =	simm.s32 $0xFFFFFFFF;
	p2 =	slt.u32 s8, $0xFFFFF086  }
0x1c: {  	p1 =	slt.u32 s9, $0xF7A;
	s5 =	simm.s32 @!p2 $0x0  }
0x1d: {  	s5 =	simm.s32 @p1 $0x1;
	p0 =	seq.s32 s7, s2  }
0x1e: {  	s7 =	smul.u32 @!p0 $0xF7A, s2;
	p2 =	seq.s32 @!p0 s5, $0x0  }
0x1f: {  	s9 =	smul.u32 $0xF7A, s1;
	s8 =	simm.s32 @!p0 $0x1BF5;
	p2 =	por !p2, p0  }
0x20: {  	[sflag:s8] =	ssyncset.s32 @!p0 $0xFFFFF086;
	s6 =	sadd.s32 @!p0 s3, s7;
	s7 =	simm.s32 @!p0 $0x108  }
0x21: {  	s3 =	sadd.s32 s3, s9;
	s6 =	sadd.s32 @!p0 $0x88, s6;
	s7 =	simm.s32 @p2 $0x1082  }
0x22: {  	[simem:s7], [sflag:s8] =	dma.local @!p0 [hbm:s6], $0xF7A  }
0x23: {  	s9 =	sor.u32 $0xD0000000, s2;
	s6 =	simm.s32 $0x108;
	_ =	swait.ge @!p0 [sflag:s8], $0x0  }
0x24: {  	s3 =	sadd.s32 $0x88, s3;
	s6 =	simm.s32 @!p1 $0x1082;
	[sflag:s4] =	ssyncset.s32 $0xFFFFF086  }
0x25: {  	[simem:s6], [sflag:s4] =	dma.local [hbm:s3], $0xF7A  }
0x26: {  	[smem:$0x3F91] =	sst s1;
	(tag) =	ssettag s2;
	_ =	strace s9  }
0x27: {  	s1 =	sld [smem:$0x3FA1]  }
0x28: {  	s2 =	sld [smem:$0x3FA2]  }
0x29: {  	s4 =	sld [smem:$0x3FA4]  }
0x2a: {  	p0 =	seq.s32 s5, $0x0;
	s5 =	sld [smem:$0x3FA5]  }
0x2b: {  	s6 =	sld [smem:$0x3FA6]  }
0x2c: {  	s7 =	sld [smem:$0x3FA7]  }
0x2d: {  	s3 =	simm.s32 $0x108;
	s8 =	sld [smem:$0x3FA8]  }
0x2e: {  	s3 =	simm.s32 @!p0 $0x1082;
	s9 =	sld [smem:$0x3FA9]  }
0x2f: {  	lr =	sadd.s32 s0, s3;
	s0 =	sld [smem:$0x3FA0]  }
0x30: {  	s3 =	sld [smem:$0x3FA3]  }
0x31: {  	[smem:$0x3FAC] =	sst s10  }
0x32: {  	s10 =	sld [smem:$0x3FAA];
	_ =	sdelay $0x3  }
0x33: {  	p0 =	seq.s32 s10, $0x1;
	s10 =	sld [smem:$0x3FAC];
	_ =	sdelay $0x3  }
0x34: {  	[smem:$0x3FAC] =	sst s10  }
0x35: {  	s10 =	sld [smem:$0x3FAB];
	_ =	sdelay $0x3  }
0x36: {  	p1 =	seq.s32 s10, $0x1;
	s10 =	sld [smem:$0x3FAC];
	_ =	sdelay $0x3  }
0x37: {  	[smem:$0x3FAC] =	sst s10  }
0x38: {  	s10 =	sld [smem:$0x3FAD]  }
0x39: {  	_ = 	snop;
	(pc) =	sbr.ind lr, $3  }
0x3a: {  	_ = 	snop  }
0x3b: {  	_ = 	snop  }
0x3c: {  	p2 =	seq.s32 s10, $0x1;
	s10 =	sld [smem:$0x3FAC]  }
0x3d: {  	_ =	shalt  }
0x3e: {  	_ =	shalt  }
0x3f: {  	_ =	shalt  }
0x40: {  	_ =	shalt  }
0x41: {  	_ =	shalt  }
0x42: {  	_ =	shalt  }
0x43: {  	_ =	shalt  }
0x44: {  	_ =	shalt  }
0x45: {  	_ =	shalt  }
0x46: {  	_ =	shalt  }
0x47: {  	_ =	shalt  }
0x48: {  	_ =	shalt  }
0x49: {  	_ =	shalt  }
0x4a: {  	_ =	shalt  }
0x4b: {  	_ =	shalt  }
0x4c: {  	_ =	shalt  }
0x4d: {  	_ =	shalt  }
0x4e: {  	_ =	shalt  }
0x4f: {  	_ =	shalt  }
0x50: {  	_ =	shalt  }
0x51: {  	_ =	shalt  }
0x52: {  	_ =	shalt  }
0x53: {  	_ =	shalt  }
0x54: {  	_ =	shalt  }
0x55: {  	_ =	shalt  }
0x56: {  	_ =	shalt  }
0x57: {  	_ =	shalt  }
0x58: {  	_ =	shalt  }
0x59: {  	_ =	shalt  }
0x5a: {  	_ =	shalt  }
0x5b: {  	_ =	shalt  }
0x5c: {  	_ =	shalt  }
0x5d: {  	_ =	shalt  }
0x5e: {  	_ =	shalt  }
0x5f: {  	_ =	shalt  }
0x60: {  	_ =	shalt  }
0x61: {  	_ =	shalt  }
0x62: {  	_ =	shalt  }
0x63: {  	_ =	shalt  }
0x64: {  	_ =	shalt  }
0x65: {  	_ =	shalt  }
0x66: {  	_ =	shalt  }
0x67: {  	_ =	shalt  }
0x68: {  	_ =	shalt  }
0x69: {  	_ =	shalt  }
0x6a: {  	_ =	shalt  }
0x6b: {  	_ =	shalt  }
0x6c: {  	_ =	shalt  }
0x6d: {  	_ =	shalt  }
0x6e: {  	_ =	shalt  }
0x6f: {  	_ =	shalt  }
0x70: {  	_ =	shalt  }
0x71: {  	_ =	shalt  }
0x72: {  	_ =	shalt  }
0x73: {  	_ =	shalt  }
0x74: {  	_ =	shalt  }
0x75: {  	_ =	shalt  }
0x76: {  	_ =	shalt  }
0x77: {  	_ =	shalt  }
0x78: {  	_ =	shalt  }
0x79: {  	_ =	shalt  }
0x7a: {  	_ =	shalt  }
0x7b: {  	_ =	shalt  }
0x7c: {  	_ =	shalt  }
0x7d: {  	_ =	shalt  }
0x7e: {  	_ =	shalt  }
0x7f: {  	_ =	shalt  }
0x80: {  	_ =	shalt  }
0x81: {  	_ =	shalt  }
0x82: {  	_ =	shalt  }
0x83: {  	_ =	shalt  }
0x84: {  	_ =	shalt  }
0x85: {  	_ =	shalt  }
0x86: {  	_ =	shalt  }
0x87: {  	_ =	shalt  }
.Lfunc_end0:
.L_simem_size_0:
called_computation_lowered:
.L_overlay_start_0:
0x88: {  	s2 =	sld [smem:$0x3FD9]  }
0x89: {  	s3 =	sld [smem:$0x3FFE];
	_ =	sdelay $0x1  }
0x8a: {  	s1 =	srdreg.scid  }
0x8b: {  	s0 =	sand.u32 $0x1, s1  }
0x8c: {  	s16 =	sshll.u32 s0, $0xA;
	s2 =	sadd.s32 s3, s2  }
0x8d: {  	s2 =	sadd.s32 s2, s16  }
0x8e: {  	[smem:$0x3FB8] =	sst s2  }
0x8f: {  	_ = 	snop  }
0x90: {  	(tm) =	ssettm $0x1  }
0x91: {  	s17 =	sld [smem:$0x3FFB];
	_ =	sdelay $0x3  }
0x92: {  	_ =	strace s17  }
0x93: {  	s2 =	sld [smem:$0x3FFC];
	_ =	sdelay $0x3  }
0x94: {  	_ =	strace s2  }
0x95: {  	s2 =	sld [smem:$0x3FFD];
	_ =	sdelay $0x3  }
0x96: {  	_ =	strace s2  }
0x97: {  	_ =	strace $0x8FFFFFFF  }
0x98: {  	s18 =	sld [smem:$0x3FDB];
	_ =	sdelay $0x1  }
0x99: {  	s19 =	simm.s32 $_scs_section_size  }
0x9a: {  	s4 =	simm.s32 $_size__tile_overlayer_lowered;
	s5 =	simm.s32 $_tile_overlayer_lowered  }
0x9b: {  	s22 =	simm.s32 $0x1BFF;
	s21 =	sshll.u32 s5, $0x1;
	s2 =	sadd.s32 s19, s18  }
0x9c: {  	s6 =	simm.s32 $0x0;
	s20 =	sshll.u32 s4, $0x1;
	s4 =	sadd.s32 s21, s2  }
0x9d: {  	[timem:s6], [sflag:s22] =	dma.local [hbm:s4], s20  }
0x9e: {  	_ =	swait.ge [sflag:s22], s20  }
0x9f: {  	s3 =	ssub.s32 $0x0, s20;
	[sflag:s22] =	ssyncset.done $0x0  }
0xa0: {  	[sflag:s22] =	ssyncadd.s32 s3;
	_ =	sdelay $0x1  }
0xa1: {  	s23 =	simm.s32 $0x1B8B  }
0xa2: {  	_ =	swait.ge [sflag:s23], $0x1  }
0xa3: {  	[sflag:s23] =	ssyncset.done $0x0  }
0xa4: {  	s25 =	simm.s32 $0x1B8E;
	s24 =	sld [smem:$0x3FFE];
	[sflag:s23] =	ssyncadd.s32 $0xFFFFFFFF  }
0xa5: {  	s26 =	simm.s32 $execute0_lowered;
	[smem:$0x3FD2] =	sst s25  }
0xa6: {  	s4 =	sshll.u32 s26, $0x1;
	_ =	strace $0x80000046;
	[dreg:$0x1] =	wrdreg $0xFFFFFFFF  }
0xa7: {  	s28 =	simm.s32 $_size_execute0_lowered;
	s2 =	sadd.s32 s2, s4;
	[dreg:$0x0] =	wrdreg $0x0  }
0xa8: {  	s4 =	sshll.u32 s28, $0x1;
	[dreg:$0x2] =	wrdreg s2  }
0xa9: {  	[dreg:$0x3] =	wrdreg s4  }
0xaa: {  	[dreg:$0x4] =	wrdreg $0xC0  }
0xab: {  	_ =	task [dreg:s6], $0x5FFFF  }
0xac: {  	[dreg:$0x1] =	wrdreg $0xFFFFFFFF  }
0xad: {  	[dreg:$0x0] =	wrdreg $0x60  }
0xae: {  	[dreg:$0x2] =	wrdreg s24  }
0xaf: {  	[dreg:$0x3] =	wrdreg $0x9  }
0xb0: {  	_ =	task.clear_ibuf [dreg:s6], $0x4FFFF;
	_ =	strace $0x90000046  }
0xb1: {  	s29 =	simm.s32 $0x9;
	_ =	strace $0x8000004F  }
0xb2: {  	_ =	swait.ge [sflag:s29], $0x1  }
0xb3: {  	[sflag:s29] =	ssyncadd.s32 $0xFFFFFFFF  }
0xb4: {  	_ =	strace $0x9000004F  }
0xb5: {  	_ =	sfence  }
0xb6: {  	s30 =	sld [smem:$0x0];
	_ =	sdelay $0x2  }
0xb7: {  	s31 =	sshll.u32 s1, $0xD;
	s1 =	sshrl.u32 s1, $0x2  }
0xb8: {  	s3 =	sand.u32 $0x4000, s31;
	s1 =	sadd.s32 s1, s30  }
0xb9: {  	s0 =	sor.u32 s3, s0;
	s1 =	sshll.u32 s1, $0x11  }
0xba: {  	s0 =	sor.u32 s1, s0  }
0xbb: {  	s0 =	sadd.s32 $0x8F2B, s0  }
0xbc: {  	[sflag:s0] =	ssyncadd.remote.s32 $0x1  }
0xbd: {  	_ =	sfence.sel $0xFFFF  }
0xbe: {  	[dreg:$0x0] =	wrdreg $0xFFFFFFFF;
	(pc) =	sbr.abs _section_cstart, $3  }
0xbf: {  	[dreg:$0x1] =	wrdreg $0xFFFFFFFF  }
0xc0: {  	_ =	task.clear_ibuf [dreg:s6], $0x2FFFF;
	_ =	strace $0x9FFFFFFF  }
0xc1: {  	(tm) =	ssettm $0x7FFFFFFF  }
tec
execute0_lowered:
.L_overlay_start_1:
0x0: {  	(tag) =	ssettag $0x1  }
0x1: {  	s3 =	rddreg [dreg:$0x0]  }
0x2: {  	s0 =	rddreg [dreg:$0x1];
	s1 =	simm.s32 $0x0;
	s2 =	srdreg.scid  }
0x3: {  	s31 =	simm.s32 $0x80;
	s9 =	simm.s32 $0x4;
	s10 =	simm.s32 $0x0  }
0x4: {  	[smem:$0x7FF] =	sst s1;
	s4 =	sand.u32 $0x1, s2;
	s5 =	sadd.s32 $0x2200, s3  }
0x5: {  	s2 =	stileid.u32;
	s29 =	sadd.s32 $0x13A00, s3;
	s3 =	sadd.s32 $0x12200, s3  }
0x6: {  	_ =	strace $0x80000047;
	s6 =	sshll.u32 s4, $0x4;
	[dreg:$0x2] =	wrdreg s5  }
0x7: {  	s4 =	ssub.s32 $0x2, s4;
	[dreg:$0x4] =	wrdreg s29;
	s28 =	sor.u32 s2, s6  }
0x8: {  	[dreg:$0x3] =	wrdreg s31;
	s7 =	sshrl.u32 s4, $0x1;
	s8 =	smul.u32 $0xC0, s28  }
0x9: {  	s30 =	ssub.s32 s4, s7;
	s4 =	smul.u32 $0xC, s28;
	s7 =	simm.s32 $0x1  }
0xa: {  	s6 =	smax.u32 s30, $0x1;
	s5 =	sadd.s32 s3, s8;
	s8 =	simm.s32 $0x5  }
.LBB2_1:
0xb: {  	_ =	strace $0x80000048;
	s11 =	simm.s32 $0x1;
	p0 =	por $0x0, $0x0  }
0xc: {  	[tilespmem:s1], [sflag:$0x1] =	stream.linear.gather [hbm4b:s5+s1], $0x80, $0x200038;
	[tilespmem:$0x8100] =	vst v63  }
0xd: {  	s11 =	simm.s32 @p0 $0x0  }
0xe: {  	p4 =	por $0x1, $0x1;
	s20 =	sand.u32 $0x1, s1;
	p1 =	sne.s32 s11, $0x0  }
0xf: {  	p2 =	por $0x1, $0x1;
	s18 =	simm.s32 $0xA;
	p0 =	por !p4, !p1  }
0x10: {  	s16 =	simm.s32 $0x0;
	p5 =	por $0x0, $0x0;
	p0 =	por !p0, !p0  }
0x11: {  	s23 =	sadd.s32 $0x0, s4;
	s30 =	sadd.s32 $0x1, s20;
	s12 =	sadd.s32 @p0 s4, s11  }
0x12: {  	_ =	strace $0x90000048;
	s13 =	sand.u32 @p0 $0x1, s7;
	s12 =	sshll.u32 @p0 s12, $0x4  }
0x13: {  	_ =	strace @p0 $0x80000049;
	s15 =	simm.s32 @p0 $0x0;
	s12 =	sand.u32 @p0 $0x1FFFFFF0, s12  }
0x14: {  	s14 =	sshll.u32 @p0 s13, $0x7;
	s13 =	sadd.s32 @p0 $0x1, s13;
	s12 =	sadd.s32 @p0 s3, s12  }
0x15: {  	[tilespmem:s14], [sflag:s13] =	stream.linear.gather @p0 [hbm4b:s12+s15], $0x80, $0x200038;
	[tilespmem:$0x8100] =	vst v63  }
0x16: {  	p3 =	por p2, p2;
	s21 =	sshll.u32 s20, $0xE;
	_ =	strace @p0 $0x90000049  }
0x17: {  	s16 =	sand.u32 $0x80, s16;
	p2 =	por p5, p5;
	_ =	strace $0x8000004A  }
0x18: {  	s17 =	sadd.s32 $0x1, s11;
	s22 =	sor.u32 $0x100, s21;
	_ =	swait.ge [sflag:s30], $0x80  }
0x19: {  	s21 =	simm.s32 $0x1;
	p6 =	por p1, p1;
	[sflag:s30] =	ssyncset.done $0x0  }
0x1a: {  	p1 =	por p3, p3;
	p4 =	por $0x1, $0x1;
	[sflag:s30] =	ssyncadd.s32 $0xFFFFFF80  }
0x1b: {  	s12 =	simm.s32 $0xB;
	s15 =	sand.u32 @!p3 $0x1, s1;
	_ =	strace $0x9000004A  }
0x1c: {  	s13 =	simm.s32 $0x1;
	p3 =	seq.s32 s17, $0xC;
	_ =	strace $0x8000004B  }
0x1d: {  	s13 =	simm.s32 @!p0 $0x0;
	s17 =	simm.s32 @p3 $0x0;
	s19 =	rddreg [dreg:$0x3]  }
0x1e: {  	p0 =	por $0x0, $0x0;
	s14 =	sadd.s32 $0x1, s13;
	s31 =	rddreg [dreg:$0x2]  }
0x1f: {  	[tilespmem:s22], [sflag:$0x5] =	stream.indirect.gather [hbm4b:s31+s19], $0x80, s16, s19, $0x2000b8;
	[tilespmem:$0x8100] =	vst v63  }
0x20: {  	p3 =	sne.s32 s11, s17;
	s21 =	simm.s32 @!p0 $0x0;
	_ =	swait.ge [sflag:s8], $0x4000  }
0x21: {  	p5 =	por !p4, !p3;
	p4 =	por $0x0, $0x0;
	[sflag:s8] =	ssyncset.done $0x0  }
0x22: {  	s13 =	simm.s32 $0x0;
	p6 =	por p4, p6;
	[sflag:s8] =	ssyncadd.s32 $0xFFFFC000  }
0x23: {  	s16 =	simm.s32 $0x0;
	s19 =	simm.s32 $0x0;
	_ =	strace $0x9000004B  }
.LBB2_2:
0x24: {  	_ =	strace @p6 $0x8000004C;
	s13 =	sadd.s32 s21, s13;
	s21 =	smov.u32 s12  }
0x25: {  	s12 =	smov.u32 s18;
	s18 =	sadd.s32 $0xFFFFFFFF, s18;
	p0 =	por p3, p3  }
0x26: {  	s28 =	sshll.u32 @p6 s23, $0xB;
	s20 =	sadd.s32 @p6 $0x3, s20;
	s24 =	simm.s32 @!p0 $0x0  }
0x27: {  	s25 =	rddreg [dreg:$0x4];
	s28 =	sand.u32 @p6 $0x1FFFF800, s28;
	s24 =	simm.s32 @p0 $0x1  }
0x28: {  	s25 =	sadd.s32 @p6 s25, s28;
	s28 =	simm.s32 @p6 $0x0;
	p0 =	sne.s32 s18, $0x0  }
0x29: {  	[hbm4b:s25+s28] =	stream.linear.scatter @p6 [tilespmem:s22], [sflag:s20], $0x4000, $0x200038;
	[tilespmem:$0x8100] =	vst v63  }
0x2a: {  	s20 =	sadd.s32 @!p1 $0x3, s15;
	s15 =	simm.s32 @!p0 $0x0  }
0x2b: {  	s26 =	simm.s32 $0x1;
	[smem:$0x7FC] =	sst s24;
	s15 =	simm.s32 @p0 $0x1  }
0x2c: {  	s26 =	simm.s32 @!p6 $0x0;
	_ =	strace @p6 $0x9000004C;
	[smem:$0x7FD] =	sst s15  }
0x2d: {  	p5 =	por !p5, !p5;
	s19 =	sadd.s32 s26, s19;
	_ =	strace @!p1 $0x8000004D  }
0x2e: {  	s24 =	sand.u32 @!p2 $0x1, s13;
	s22 =	sand.u32 @p5 $0x1, s14;
	_ =	swait.ge @!p1 [sflag:s20], $0x4000  }
0x2f: {  	s15 =	smov.u32 s24;
	s24 =	sadd.s32 @p5 s4, s17;
	[sflag:s20] =	ssyncset.done @!p1 $0x0  }
0x30: {  	s25 =	sshll.u32 @p5 s22, $0x7;
	s24 =	sshll.u32 @p5 s24, $0x4;
	[sflag:s20] =	ssyncadd.s32 @!p1 $0xFFFFC000  }
0x31: {  	s20 =	sadd.s32 @p5 $0x1, s22;
	s22 =	sand.u32 @p5 $0x1FFFFFF0, s24;
	_ =	strace @!p1 $0x9000004D  }
0x32: {  	s24 =	simm.s32 @p5 $0x0;
	s22 =	sadd.s32 @p5 s3, s22;
	_ =	strace @p5 $0x80000049  }
0x33: {  	[tilespmem:s25], [sflag:s20] =	stream.linear.gather @p5 [hbm4b:s22+s24], $0x80, $0x200038;
	[tilespmem:$0x8100] =	vst v63  }
0x34: {  	s16 =	sadd.s32 s26, s16;
	s26 =	sand.u32 $0x1, s19;
	_ =	strace @p5 $0x90000049  }
0x35: {  	s24 =	sadd.s32 $0x1, s26;
	_ =	strace $0x8000004A  }
0x36: {  	_ =	swait.ge [sflag:s24], $0x80  }
0x37: {  	[sflag:s24] =	ssyncset.done $0x0  }
0x38: {  	s20 =	simm.s32 $0x1;
	[sflag:s24] =	ssyncadd.s32 $0xFFFFFF80  }
0x39: {  	s20 =	simm.s32 @!p5 $0x0;
	_ =	strace $0x9000004A  }
0x3a: {  	s14 =	sadd.s32 s20, s14;
	s20 =	sand.u32 $0x1, s16;
	_ =	strace $0x8000004B  }
0x3b: {  	s29 =	sshll.u32 s19, $0x7;
	s25 =	sshll.u32 s20, $0xE;
	s26 =	rddreg [dreg:$0x3]  }
0x3c: {  	s29 =	sand.u32 $0x80, s29;
	s22 =	sor.u32 $0x100, s25;
	s30 =	rddreg [dreg:$0x2]  }
0x3d: {  	[tilespmem:s22], [sflag:$0x5] =	stream.indirect.gather [hbm4b:s30+s26], $0x80, s29, s26, $0x2000b8;
	[tilespmem:$0x8100] =	vst v63  }
0x3e: {  	_ =	swait.ge [sflag:s8], $0x4000  }
0x3f: {  	s31 =	sadd.s32 $0x1, s17;
	[sflag:s8] =	ssyncset.done $0x0  }
0x40: {  	s23 =	sadd.s32 s4, s11;
	s11 =	smov.u32 s17;
	[sflag:s8] =	ssyncadd.s32 $0xFFFFC000  }
0x41: {  	p3 =	seq.s32 s31, $0xC;
	s17 =	smov.u32 s31;
	_ =	strace $0x9000004B  }
0x42: {  	s17 =	simm.s32 @p3 $0x0;
	s31 =	sld [smem:$0x7FD]  }
0x43: {  	p6 =	sne.s32 s12, $0x1;
	p0 =	sne.s32 s21, $0xC;
	p3 =	sne.s32 s11, s17  }
0x44: {  	p5 =	por !p6, !p3;
	p6 =	seq.s32 s21, $0x1;
	s21 =	simm.s32 $0x1  }
0x45: {  	s21 =	simm.s32 @!p0 $0x0;
	p0 =	seq.s32 s31, $0x1  }
.Ltmp0:
0x46: {  	s30 =	sld [smem:$0x7FC];
	(pc) =	sbr.rel @p0 .LBB2_2-.Ltmp0, $4  }
0x47: {  	_ = 	snop  }
0x48: {  	p4 =	seq.s32 s12, $0xC  }
0x49: {  	p1 =	por p2, p2;
	p2 =	por p4, p4;
	p4 =	seq.s32 s30, $0x1  }
0x4a: {  	p6 =	por p6, p4  }
0x4b: {  	_ =	strace @p6 $0x8000004C;
	s23 =	sshll.u32 @p6 s23, $0xB  }
0x4c: {  	s18 =	rddreg [dreg:$0x4];
	s23 =	sand.u32 @p6 $0x1FFFF800, s23  }
0x4d: {  	s20 =	sadd.s32 @p6 $0x3, s20;
	s18 =	sadd.s32 @p6 s18, s23;
	s23 =	simm.s32 @p6 $0x0  }
0x4e: {  	[hbm4b:s18+s23] =	stream.linear.scatter @p6 [tilespmem:s22], [sflag:s20], $0x4000, $0x200038;
	[tilespmem:$0x8100] =	vst v63  }
0x4f: {  	p0 =	por !p5, !p5;
	_ =	strace @p6 $0x9000004C  }
0x50: {  	s15 =	sadd.s32 @!p1 $0x3, s15;
	s17 =	sadd.s32 @p0 s4, s17;
	_ =	strace @!p1 $0x8000004D  }
0x51: {  	s14 =	sand.u32 @p0 $0x1, s14;
	s17 =	sshll.u32 @p0 s17, $0x4;
	_ =	swait.ge @!p1 [sflag:s15], $0x4000  }
0x52: {  	s18 =	simm.s32 $0x1;
	s20 =	sshll.u32 @p0 s14, $0x7;
	[sflag:s15] =	ssyncset.done @!p1 $0x0  }
0x53: {  	s14 =	sadd.s32 @p0 $0x1, s14;
	s18 =	simm.s32 @!p6 $0x0;
	[sflag:s15] =	ssyncadd.s32 @!p1 $0xFFFFC000  }
0x54: {  	s19 =	sadd.s32 s18, s19;
	s15 =	sand.u32 @p0 $0x1FFFFFF0, s17;
	_ =	strace @!p1 $0x9000004D  }
0x55: {  	s17 =	simm.s32 @p0 $0x0;
	s15 =	sadd.s32 @p0 s3, s15;
	_ =	strace @p0 $0x80000049  }
0x56: {  	[tilespmem:s20], [sflag:s14] =	stream.linear.gather @p0 [hbm4b:s15+s17], $0x80, $0x200038;
	[tilespmem:$0x8100] =	vst v63  }
0x57: {  	s25 =	sand.u32 $0x1, s19;
	_ =	strace @p0 $0x90000049  }
0x58: {  	s14 =	sadd.s32 $0x1, s25;
	_ =	strace $0x8000004A  }
0x59: {  	_ =	swait.ge [sflag:s14], $0x80  }
0x5a: {  	[sflag:s14] =	ssyncset.done $0x0  }
0x5b: {  	[sflag:s14] =	ssyncadd.s32 $0xFFFFFF80  }
0x5c: {  	s26 =	sadd.s32 s18, s16;
	_ =	strace $0x9000004A  }
0x5d: {  	s14 =	sand.u32 $0x1, s26;
	_ =	strace $0x8000004B  }
0x5e: {  	s30 =	sshll.u32 s19, $0x7;
	s31 =	sshll.u32 s14, $0xE;
	s28 =	rddreg [dreg:$0x3]  }
0x5f: {  	s17 =	sand.u32 $0x80, s30;
	s18 =	sor.u32 $0x100, s31;
	s29 =	rddreg [dreg:$0x2]  }
0x60: {  	[tilespmem:s18], [sflag:$0x5] =	stream.indirect.gather [hbm4b:s29+s28], $0x80, s17, s28, $0x2000b8;
	[tilespmem:$0x8100] =	vst v63  }
0x61: {  	_ =	swait.ge [sflag:s8], $0x4000  }
0x62: {  	[sflag:s8] =	ssyncset.done $0x0  }
0x63: {  	p5 =	por p3, p3;
	p6 =	seq.s32 s12, $0x1;
	[sflag:s8] =	ssyncadd.s32 $0xFFFFC000  }
0x64: {  	s11 =	sadd.s32 s4, s11;
	p0 =	por p6, p5;
	_ =	strace $0x9000004B  }
0x65: {  	s11 =	sshll.u32 @p0 s11, $0xB;
	_ =	strace @p0 $0x8000004C  }
0x66: {  	s13 =	sadd.s32 s21, s13;
	s11 =	sand.u32 @p0 $0x1FFFF800, s11;
	s12 =	rddreg [dreg:$0x4]  }
0x67: {  	s14 =	sadd.s32 @p0 $0x3, s14;
	s11 =	sadd.s32 @p0 s12, s11;
	s12 =	simm.s32 @p0 $0x0  }
0x68: {  	[hbm4b:s11+s12] =	stream.linear.scatter @p0 [tilespmem:s18], [sflag:s14], $0x4000, $0x200038;
	[tilespmem:$0x8100] =	vst v63  }
0x69: {  	p1 =	por p2, p2;
	s11 =	sand.u32 @!p2 $0x1, s13;
	_ =	strace @p0 $0x9000004C  }
0x6a: {  	s11 =	sadd.s32 @!p1 $0x3, s11;
	_ =	strace @!p1 $0x8000004D  }
0x6b: {  	_ =	swait.ge @!p1 [sflag:s11], $0x4000  }
0x6c: {  	[sflag:s11] =	ssyncset.done @!p1 $0x0  }
0x6d: {  	s10 =	sadd.s32 $0x1, s10;
	[sflag:s11] =	ssyncadd.s32 @!p1 $0xFFFFC000  }
0x6e: {  	p0 =	sne.s32 s10, s6;
	_ =	strace @!p1 $0x9000004D  }
.Ltmp1:
0x6f: {  	_ =	strace $0x8000004E;
	(pc) =	sbr.rel @p0 .LBB2_1-.Ltmp1, $4  }
0x70: {  	_ =	swait.ge [sflag:s9], $0x4000  }
0x71: {  	[sflag:s9] =	ssyncset.done $0x0  }
0x72: {  	[sflag:s9] =	ssyncadd.s32 $0xFFFFC000  }
0x73: {  	_ =	strace $0x9000004E  }
0x74: {  	_ =	sfence.sel $0x180000  }
0x75: {  	[bflag:$0x0] =	sbarrier.arrive $0xFFFF  }
0x76: {  	p0 =	sne.s32 s2, $0x0;
	_ =	strace $0x90000047  }
0x77: {  	s0 =	sadd.s32 @!p0 $0x100000, s0;
	[bflag:$0x2] =	sbarrier.arrive $0xFFFF  }
0x78: {  	[sflag:s0] =	ssyncadd.tile.s32 @!p0 $0x1;
	_ =	shalt  }
.Lfunc_end2:
_tile_overlayer_lowered:
.L_overlay_start_2:
0x79: {  	(tag) =	ssettag $0x2  }
0x7a: {  	s0 =	rddreg [dreg:$0x0];
	s2 =	stileid.u32  }
0x7b: {  	s1 =	rddreg [dreg:$0x1];
	p0 =	sne.s32 s2, $0x0  }
0x7c: {  	s3 =	rddreg [dreg:$0x2];
	[bflag:$0x3] =	sbarrier.arrive $0xFFFF;
	s2 =	simm.s32 @!p0 $0x1C01  }
0x7d: {  	[timem:s3], [sflag:s2] =	dma.local @!p0 [hbm:s0], s1  }
0x7e: {  	s0 =	simm.s32 @!p0 $0x1  }
0x7f: {  	_ =	swait.ge @!p0 [sflag:s0], s1  }
0x80: {  	s1 =	ssub.s32 @!p0 $0x0, s1;
	[sflag:s0] =	ssyncset.done @!p0 $0x0  }
0x81: {  	[sflag:s0] =	ssyncadd.s32 @!p0 s1  }
0x82: {  	[bflag:$0x3] =	sbarrier.arrive $0xFFFF  }
0x83: {  	_ =	shalt  }

</sc_bundles>
